<compile_context>
chip_gen: v7x
topology: tpu7x:2x2x1
jax: 0.10.2.dev20260603
libtpu: 0.0.44.dev20260713+nightly
codegen_flags: <defaults>
</compile_context>

<pallas_src>
import functools

import jax
import jax.numpy as jnp
from jax import lax
from jax.experimental import pallas as pl
from jax.experimental.pallas import tpu as pltpu
from jax.experimental.pallas import tpu_sc as plsc

B, S, HID = 4, 8192, 128
N = B * S
MAX_TOK = 8192

NC, NS, L = 2, 16, 16
NW = NC * NS
NPW = N // NW
WPB = S // NPW
C = 128
NCHUNK = NPW // C
NB = 3
P = 2
STG = MAX_TOK // NS

_mesh = plsc.VectorSubcoreMesh(core_axis_name="c", subcore_axis_name="s")


@functools.partial(
    pl.kernel,
    mesh=_mesh,
    out_type=jax.ShapeDtypeStruct((B, S, HID), jnp.float32),
    scratch_types=(
        [pltpu.VMEM((NPW,), jnp.int32)] * 2
        + [pltpu.VMEM((C, HID), jnp.float32)] * NB
        + [pltpu.VMEM_SHARED((MAX_TOK, HID), jnp.float32)]
        + [pltpu.SemaphoreType.DMA] * (2 * NB + 4)
    ),
)
def _embed_add(wids_hbm, pids_hbm, wtab_hbm, ptab_hbm, out_hbm,
               widx_v, pidx_v, *rest):
    bufs = rest[:NB]
    ptab_sh = rest[NB]
    semw = rest[NB + 1:2 * NB + 1]
    sema = rest[2 * NB + 1:3 * NB + 1]
    so = rest[3 * NB + 1]
    sst = rest[3 * NB + 2]
    swi = rest[3 * NB + 3]
    spi = rest[3 * NB + 4]
    cid = lax.axis_index("c")
    sid = lax.axis_index("s")
    wid = sid * NC + cid
    row = wid // WPB
    off = (wid % WPB) * NPW
    stg = pltpu.async_copy(ptab_hbm.at[pl.ds(sid * STG, STG)],
                           ptab_sh.at[pl.ds(sid * STG, STG)], sst)
    cwi = pltpu.async_copy(wids_hbm.at[row, pl.ds(off, NPW)], widx_v, swi)
    cpi = pltpu.async_copy(pids_hbm.at[row, pl.ds(off, NPW)], pidx_v, spi)
    cwi.wait()

    def fire_w(c):
        return pltpu.async_copy(wtab_hbm.at[widx_v.at[pl.ds(c * C, C)]],
                                bufs[c % NB], semw[c % NB])

    def fire_p(c):
        return pltpu.async_copy(ptab_sh.at[pidx_v.at[pl.ds(c * C, C)]],
                                bufs[c % NB], sema[c % NB], add=True)

    def fire_out(c):
        return pltpu.async_copy(bufs[c % NB],
                                out_hbm.at[row, pl.ds(off + c * C, C)], so)

    gw = [None] * NCHUNK
    gp = [None] * NCHUNK
    outs = [None] * NCHUNK
    for c in range(min(P, NCHUNK)):
        gw[c] = fire_w(c)
    for c in range(NCHUNK):
        gw[c].wait()
        if c == 0:
            cpi.wait()
            stg.wait()
            plsc.subcore_barrier()
        gp[c] = fire_p(c)
        if c + P < NCHUNK:
            if c + P >= NB:
                outs[c + P - NB].wait()
            gw[c + P] = fire_w(c + P)
        gp[c].wait()
        outs[c] = fire_out(c)
    for c in range(max(0, NCHUNK - NB), NCHUNK):
        outs[c].wait()


def kernel(input_ids, position_ids, word_embeddings, position_embeddings):
    return _embed_add(input_ids.astype(jnp.int32),
                      position_ids.astype(jnp.int32),
                      word_embeddings, position_embeddings)

# --- scband reference (transcript-rebuilt; emitter-appended) ---
"""Pipeline reference for scband-embedding-44513041055843 (READ-ONLY COPY).

The authoritative reference and input builder live on the scoring server;
editing this copy changes nothing except your own understanding.
"""

import jax, jax.numpy as jnp
import numpy as np

VOCAB = 1000000
MAX_TOK = 8192
HID = 128
B, S = 4, 8192

def setup_inputs(seed: int = 0) -> dict:
    key = jax.random.key(seed)
    k1, k2, k3, k4 = jax.random.split(key, 4)
    input_ids = jax.random.randint(k1, (B, S), 0, VOCAB, dtype=jnp.int64 if jax.config.read('jax_enable_x64') else jnp.int32)
    position_ids = jax.random.randint(k2, (B, S), 0, MAX_TOK, dtype=jnp.int64 if jax.config.read('jax_enable_x64') else jnp.int32)
    word_embeddings = jax.random.normal(k3, (VOCAB, HID), dtype=jnp.float32)
    position_embeddings = jax.random.normal(k4, (MAX_TOK, HID), dtype=jnp.float32)
    return {
        'input_ids': input_ids,
        'position_ids': position_ids,
        'word_embeddings': word_embeddings,
        'position_embeddings': position_embeddings,
    }

def reference(input_ids, position_ids, word_embeddings, position_embeddings):
    # word embedding lookup (gather)
    inputs_embeds = jnp.take(word_embeddings, input_ids, axis=0)
    # position embedding lookup (gather)
    pos_embeds = jnp.take(position_embeddings, position_ids, axis=0)
    embeddings = inputs_embeds + pos_embeds
    # dropout with p=0.0 / eval mode -> identity
    return embeddings

if __name__ == "__main__":
    import jax
    _d = setup_inputs()
    print(jax.jit(kernel)(*tuple(_d.values())))

</pallas_src>

<mosaic_0001>
#map = affine_map<(d0, d1) -> (0, 0)>
#map1 = affine_map<(d0, d1) -> (0, 0, 0)>
module attributes {stable_mosaic.version = 14 : i64} {
  func.func @_embed_add(%arg0: i32, %arg1: i32, %arg2: memref<4x8192xi32, #tpu.memory_space<hbm>>, %arg3: memref<4x8192xi32, #tpu.memory_space<hbm>>, %arg4: memref<1000000x128xf32, #tpu.memory_space<hbm>>, %arg5: memref<8192x128xf32, #tpu.memory_space<hbm>>, %arg6: memref<4x8192x128xf32, #tpu.memory_space<hbm>>, %arg7: memref<1024xi32, #tpu.memory_space<vmem>>, %arg8: memref<1024xi32, #tpu.memory_space<vmem>>, %arg9: memref<128x128xf32, #tpu.memory_space<vmem>>, %arg10: memref<128x128xf32, #tpu.memory_space<vmem>>, %arg11: memref<128x128xf32, #tpu.memory_space<vmem>>, %arg12: memref<8192x128xf32, #tpu.memory_space<vmem_shared>>, %arg13: memref<!tpu.dma_semaphore, #tpu.memory_space<semaphore_mem>>, %arg14: memref<!tpu.dma_semaphore, #tpu.memory_space<semaphore_mem>>, %arg15: memref<!tpu.dma_semaphore, #tpu.memory_space<semaphore_mem>>, %arg16: memref<!tpu.dma_semaphore, #tpu.memory_space<semaphore_mem>>, %arg17: memref<!tpu.dma_semaphore, #tpu.memory_space<semaphore_mem>>, %arg18: memref<!tpu.dma_semaphore, #tpu.memory_space<semaphore_mem>>, %arg19: memref<!tpu.dma_semaphore, #tpu.memory_space<semaphore_mem>>, %arg20: memref<!tpu.dma_semaphore, #tpu.memory_space<semaphore_mem>>, %arg21: memref<!tpu.dma_semaphore, #tpu.memory_space<semaphore_mem>>, %arg22: memref<!tpu.dma_semaphore, #tpu.memory_space<semaphore_mem>>) attributes {dimension_semantics = [#tpu.dimension_semantics<core_parallel>, #tpu.dimension_semantics<subcore_parallel>], iteration_bounds = array<i64: 2, 16>, scalar_prefetch = 0 : i64, scratch_operands = 16 : i64, tpu.core_type = #tpu.core_type<sc_vector_subcore>, window_params = [{transform_indices = #map}, {transform_indices = #map}, {transform_indices = #map}, {transform_indices = #map}, {transform_indices = #map1}]} {
    %mul3A = arith.constant 2 : i32
    %mul3A_0 = arith.muli %arg1, %mul3A : i32
    %add3A = arith.addi %mul3A_0, %arg0 : i32
    %jit3A = arith.constant 8 : i32
    %div3A = arith.divsi %add3A, %jit3A : i32
    %sign3A = arith.constant 0 : i32
    %sign3A_1 = arith.cmpi sgt, %add3A, %sign3A : i32
    %sign3A_2 = arith.extui %sign3A_1 : i1 to i32
    %sign3A_3 = arith.constant 0 : i32
    %sign3A_4 = arith.cmpi slt, %add3A, %sign3A_3 : i32
    %sign3A_5 = arith.extui %sign3A_4 : i1 to i32
    %sign3A_6 = arith.subi %sign3A_2, %sign3A_5 : i32
    %sign3A_7 = arith.constant 0 : i32
    %sign3A_8 = arith.cmpi sgt, %jit3A, %sign3A_7 : i32
    %sign3A_9 = arith.extui %sign3A_8 : i1 to i32
    %sign3A_10 = arith.constant 0 : i32
    %sign3A_11 = arith.cmpi slt, %jit3A, %sign3A_10 : i32
    %sign3A_12 = arith.extui %sign3A_11 : i1 to i32
    %sign3A_13 = arith.subi %sign3A_9, %sign3A_12 : i32
    %ne3A = arith.cmpi ne, %sign3A_6, %sign3A_13 : i32
    %rem3A = arith.remsi %add3A, %jit3A : i32
    %ne3A_14 = arith.constant 0 : i32
    %ne3A_15 = arith.cmpi ne, %rem3A, %ne3A_14 : i32
    %and3A = arith.andi %ne3A, %ne3A_15 : i1
    %sub3A = arith.constant 1 : i32
    %sub3A_16 = arith.subi %div3A, %sub3A : i32
    %select_n3A = arith.select %and3A, %sub3A_16, %div3A : i32
    %jit3A_17 = arith.constant 8 : i32
    %eq3A = arith.constant 0 : i32
    %eq3A_18 = arith.cmpi eq, %jit3A_17, %eq3A : i32
    %jit3A_19 = arith.constant 1 : i32
    %select_n3A_20 = arith.select %eq3A_18, %jit3A_19, %jit3A_17 : i32
    %rem3A_21 = arith.remsi %add3A, %select_n3A_20 : i32
    %ne3A_22 = arith.constant 0 : i32
    %ne3A_23 = arith.cmpi ne, %rem3A_21, %ne3A_22 : i32
    %lt3A = arith.constant 0 : i32
    %lt3A_24 = arith.cmpi slt, %rem3A_21, %lt3A : i32
    %lt3A_25 = arith.constant 0 : i32
    %lt3A_26 = arith.cmpi slt, %select_n3A_20, %lt3A_25 : i32
    %ne3A_27 = arith.xori %lt3A_24, %lt3A_26 : i1
    %and3A_28 = arith.andi %ne3A_27, %ne3A_23 : i1
    %add3A_29 = arith.addi %rem3A_21, %select_n3A_20 : i32
    %select_n3A_30 = arith.select %and3A_28, %add3A_29, %rem3A_21 : i32
    %mul3A_31 = arith.constant 1024 : i32
    %mul3A_32 = arith.muli %select_n3A_30, %mul3A_31 : i32
    %mul3A_33 = arith.constant 512 : i32
    %mul3A_34 = arith.muli %arg1, %mul3A_33 : i32
    %mul3A_35 = arith.constant 512 : i32
    %mul3A_36 = arith.muli %arg1, %mul3A_35 : i32
    %dma_start3A = arith.constant 0 : i32
    %dma_start3A_37 = tpu.memref_slice %arg12[%mul3A_36, %dma_start3A] : memref<8192x128xf32, #tpu.memory_space<vmem_shared>> -> memref<512x128xf32, #tpu.memory_space<vmem_shared>>
    %dma_start3A_38 = arith.constant 0 : i32
    %dma_start3A_39 = tpu.memref_slice %arg5[%mul3A_34, %dma_start3A_38] : memref<8192x128xf32, #tpu.memory_space<hbm>> -> memref<512x128xf32, #tpu.memory_space<hbm>>
    tpu.enqueue_dma source(%dma_start3A_39 : memref<512x128xf32, #tpu.memory_space<hbm>>) target(%dma_start3A_37 : memref<512x128xf32, #tpu.memory_space<vmem_shared>>) target_semaphore(%arg20 : memref<!tpu.dma_semaphore, #tpu.memory_space<semaphore_mem>>)
    %dma_start3A_40 = tpu.memref_slice %arg2[%select_n3A, %mul3A_32] : memref<4x8192xi32, #tpu.memory_space<hbm>> -> memref<1x1024xi32, #tpu.memory_space<hbm>>
    %dma_start3A_41 = tpu.memref_squeeze %dma_start3A_40 : memref<1x1024xi32, #tpu.memory_space<hbm>> -> memref<1024xi32, #tpu.memory_space<hbm>>
    %dma_start3A_42 = tpu.memref_slice %arg2[%select_n3A, %mul3A_32] : memref<4x8192xi32, #tpu.memory_space<hbm>> -> memref<1x1024xi32, #tpu.memory_space<hbm>>
    %dma_start3A_43 = tpu.memref_squeeze %dma_start3A_42 : memref<1x1024xi32, #tpu.memory_space<hbm>> -> memref<1024xi32, #tpu.memory_space<hbm>>
    tpu.enqueue_dma source(%dma_start3A_43 : memref<1024xi32, #tpu.memory_space<hbm>>) target(%arg7 : memref<1024xi32, #tpu.memory_space<vmem>>) target_semaphore(%arg21 : memref<!tpu.dma_semaphore, #tpu.memory_space<semaphore_mem>>)
    %dma_start3A_44 = tpu.memref_slice %arg3[%select_n3A, %mul3A_32] : memref<4x8192xi32, #tpu.memory_space<hbm>> -> memref<1x1024xi32, #tpu.memory_space<hbm>>
    %dma_start3A_45 = tpu.memref_squeeze %dma_start3A_44 : memref<1x1024xi32, #tpu.memory_space<hbm>> -> memref<1024xi32, #tpu.memory_space<hbm>>
    %dma_start3A_46 = tpu.memref_slice %arg3[%select_n3A, %mul3A_32] : memref<4x8192xi32, #tpu.memory_space<hbm>> -> memref<1x1024xi32, #tpu.memory_space<hbm>>
    %dma_start3A_47 = tpu.memref_squeeze %dma_start3A_46 : memref<1x1024xi32, #tpu.memory_space<hbm>> -> memref<1024xi32, #tpu.memory_space<hbm>>
    tpu.enqueue_dma source(%dma_start3A_47 : memref<1024xi32, #tpu.memory_space<hbm>>) target(%arg8 : memref<1024xi32, #tpu.memory_space<vmem>>) target_semaphore(%arg22 : memref<!tpu.dma_semaphore, #tpu.memory_space<semaphore_mem>>)
    %dma_wait3A = tpu.memref_slice %arg2[%select_n3A, %mul3A_32] : memref<4x8192xi32, #tpu.memory_space<hbm>> -> memref<1x1024xi32, #tpu.memory_space<hbm>>
    %dma_wait3A_48 = tpu.memref_squeeze %dma_wait3A : memref<1x1024xi32, #tpu.memory_space<hbm>> -> memref<1024xi32, #tpu.memory_space<hbm>>
    %dma_wait3A_49 = tpu.memref_slice %arg2[%select_n3A, %mul3A_32] : memref<4x8192xi32, #tpu.memory_space<hbm>> -> memref<1x1024xi32, #tpu.memory_space<hbm>>
    %dma_wait3A_50 = tpu.memref_squeeze %dma_wait3A_49 : memref<1x1024xi32, #tpu.memory_space<hbm>> -> memref<1024xi32, #tpu.memory_space<hbm>>
    tpu.wait_dma2 semaphore(%arg21 : memref<!tpu.dma_semaphore, #tpu.memory_space<semaphore_mem>>) src(%dma_wait3A_50 : memref<1024xi32, #tpu.memory_space<hbm>>) dst(%arg7 : memref<1024xi32, #tpu.memory_space<vmem>>)
    %dma_start3A_51 = arith.constant 0 : i32
    %dma_start3A_52 = tpu.memref_slice %arg7[%dma_start3A_51] : memref<1024xi32, #tpu.memory_space<vmem>> -> memref<128xi32, #tpu.memory_space<vmem>>
    %dma_start3A_53 = arith.constant 0 : i32
    %dma_start3A_54 = arith.constant 0 : i32
    %dma_start3A_55 = tpu.memref_slice %arg4[%dma_start3A_53, %dma_start3A_54] : memref<1000000x128xf32, #tpu.memory_space<hbm>> -> memref<1000000x128xf32, #tpu.memory_space<hbm>>
    tpu.enqueue_indirect_dma source(%dma_start3A_55 : memref<1000000x128xf32, #tpu.memory_space<hbm>>) target(%arg9 : memref<128x128xf32, #tpu.memory_space<vmem>>) offsets(%dma_start3A_52 : memref<128xi32, #tpu.memory_space<vmem>>) semaphore(%arg13 : memref<!tpu.dma_semaphore, #tpu.memory_space<semaphore_mem>>)
    %dma_start3A_56 = arith.constant 128 : i32
    %dma_start3A_57 = tpu.memref_slice %arg7[%dma_start3A_56] : memref<1024xi32, #tpu.memory_space<vmem>> -> memref<128xi32, #tpu.memory_space<vmem>>
    %dma_start3A_58 = arith.constant 0 : i32
    %dma_start3A_59 = arith.constant 0 : i32
    %dma_start3A_60 = tpu.memref_slice %arg4[%dma_start3A_58, %dma_start3A_59] : memref<1000000x128xf32, #tpu.memory_space<hbm>> -> memref<1000000x128xf32, #tpu.memory_space<hbm>>
    tpu.enqueue_indirect_dma source(%dma_start3A_60 : memref<1000000x128xf32, #tpu.memory_space<hbm>>) target(%arg10 : memref<128x128xf32, #tpu.memory_space<vmem>>) offsets(%dma_start3A_57 : memref<128xi32, #tpu.memory_space<vmem>>) semaphore(%arg14 : memref<!tpu.dma_semaphore, #tpu.memory_space<semaphore_mem>>)
    %dma_wait3A_61 = arith.constant 0 : i32
    %dma_wait3A_62 = tpu.memref_slice %arg7[%dma_wait3A_61] : memref<1024xi32, #tpu.memory_space<vmem>> -> memref<128xi32, #tpu.memory_space<vmem>>
    %dma_wait3A_63 = arith.constant 0 : i32
    %dma_wait3A_64 = arith.constant 0 : i32
    %dma_wait3A_65 = tpu.memref_slice %arg4[%dma_wait3A_63, %dma_wait3A_64] : memref<1000000x128xf32, #tpu.memory_space<hbm>> -> memref<1000000x128xf32, #tpu.memory_space<hbm>>
    tpu.wait_indirect_dma semaphore(%arg13 : memref<!tpu.dma_semaphore, #tpu.memory_space<semaphore_mem>>) src(%dma_wait3A_65 : memref<1000000x128xf32, #tpu.memory_space<hbm>>) dst(%arg9 : memref<128x128xf32, #tpu.memory_space<vmem>>)
    %dma_wait3A_66 = tpu.memref_slice %arg3[%select_n3A, %mul3A_32] : memref<4x8192xi32, #tpu.memory_space<hbm>> -> memref<1x1024xi32, #tpu.memory_space<hbm>>
    %dma_wait3A_67 = tpu.memref_squeeze %dma_wait3A_66 : memref<1x1024xi32, #tpu.memory_space<hbm>> -> memref<1024xi32, #tpu.memory_space<hbm>>
    %dma_wait3A_68 = tpu.memref_slice %arg3[%select_n3A, %mul3A_32] : memref<4x8192xi32, #tpu.memory_space<hbm>> -> memref<1x1024xi32, #tpu.memory_space<hbm>>
    %dma_wait3A_69 = tpu.memref_squeeze %dma_wait3A_68 : memref<1x1024xi32, #tpu.memory_space<hbm>> -> memref<1024xi32, #tpu.memory_space<hbm>>
    tpu.wait_dma2 semaphore(%arg22 : memref<!tpu.dma_semaphore, #tpu.memory_space<semaphore_mem>>) src(%dma_wait3A_69 : memref<1024xi32, #tpu.memory_space<hbm>>) dst(%arg8 : memref<1024xi32, #tpu.memory_space<vmem>>)
    %dma_wait3A_70 = arith.constant 0 : i32
    %dma_wait3A_71 = tpu.memref_slice %arg12[%mul3A_36, %dma_wait3A_70] : memref<8192x128xf32, #tpu.memory_space<vmem_shared>> -> memref<512x128xf32, #tpu.memory_space<vmem_shared>>
    %dma_wait3A_72 = arith.constant 0 : i32
    %dma_wait3A_73 = tpu.memref_slice %arg5[%mul3A_34, %dma_wait3A_72] : memref<8192x128xf32, #tpu.memory_space<hbm>> -> memref<512x128xf32, #tpu.memory_space<hbm>>
    tpu.wait_dma2 semaphore(%arg20 : memref<!tpu.dma_semaphore, #tpu.memory_space<semaphore_mem>>) src(%dma_wait3A_73 : memref<512x128xf32, #tpu.memory_space<hbm>>) dst(%dma_wait3A_71 : memref<512x128xf32, #tpu.memory_space<vmem_shared>>)
    %barrier3A = arith.constant 0 : index
    tpu.barrier barrier_id(%barrier3A)
    %dma_start3A_74 = arith.constant 0 : i32
    %dma_start3A_75 = tpu.memref_slice %arg8[%dma_start3A_74] : memref<1024xi32, #tpu.memory_space<vmem>> -> memref<128xi32, #tpu.memory_space<vmem>>
    %dma_start3A_76 = arith.constant 0 : i32
    %dma_start3A_77 = arith.constant 0 : i32
    %dma_start3A_78 = tpu.memref_slice %arg12[%dma_start3A_76, %dma_start3A_77] : memref<8192x128xf32, #tpu.memory_space<vmem_shared>> -> memref<8192x128xf32, #tpu.memory_space<vmem_shared>>
    tpu.enqueue_indirect_dma source(%dma_start3A_78 : memref<8192x128xf32, #tpu.memory_space<vmem_shared>>) target(%arg9 : memref<128x128xf32, #tpu.memory_space<vmem>>) offsets(%dma_start3A_75 : memref<128xi32, #tpu.memory_space<vmem>>) semaphore(%arg16 : memref<!tpu.dma_semaphore, #tpu.memory_space<semaphore_mem>>) {add = true}
    %dma_start3A_79 = arith.constant 256 : i32
    %dma_start3A_80 = tpu.memref_slice %arg7[%dma_start3A_79] : memref<1024xi32, #tpu.memory_space<vmem>> -> memref<128xi32, #tpu.memory_space<vmem>>
    %dma_start3A_81 = arith.constant 0 : i32
    %dma_start3A_82 = arith.constant 0 : i32
    %dma_start3A_83 = tpu.memref_slice %arg4[%dma_start3A_81, %dma_start3A_82] : memref<1000000x128xf32, #tpu.memory_space<hbm>> -> memref<1000000x128xf32, #tpu.memory_space<hbm>>
    tpu.enqueue_indirect_dma source(%dma_start3A_83 : memref<1000000x128xf32, #tpu.memory_space<hbm>>) target(%arg11 : memref<128x128xf32, #tpu.memory_space<vmem>>) offsets(%dma_start3A_80 : memref<128xi32, #tpu.memory_space<vmem>>) semaphore(%arg15 : memref<!tpu.dma_semaphore, #tpu.memory_space<semaphore_mem>>)
    %dma_wait3A_84 = arith.constant 0 : i32
    %dma_wait3A_85 = tpu.memref_slice %arg8[%dma_wait3A_84] : memref<1024xi32, #tpu.memory_space<vmem>> -> memref<128xi32, #tpu.memory_space<vmem>>
    %dma_wait3A_86 = arith.constant 0 : i32
    %dma_wait3A_87 = arith.constant 0 : i32
    %dma_wait3A_88 = tpu.memref_slice %arg12[%dma_wait3A_86, %dma_wait3A_87] : memref<8192x128xf32, #tpu.memory_space<vmem_shared>> -> memref<8192x128xf32, #tpu.memory_space<vmem_shared>>
    tpu.wait_indirect_dma semaphore(%arg16 : memref<!tpu.dma_semaphore, #tpu.memory_space<semaphore_mem>>) src(%dma_wait3A_88 : memref<8192x128xf32, #tpu.memory_space<vmem_shared>>) dst(%arg9 : memref<128x128xf32, #tpu.memory_space<vmem>>)
    %add3A_89 = arith.constant 0 : i32
    %add3A_90 = arith.addi %mul3A_32, %add3A_89 : i32
    %dma_start3A_91 = arith.constant 0 : i32
    %dma_start3A_92 = tpu.memref_slice %arg6[%select_n3A, %add3A_90, %dma_start3A_91] : memref<4x8192x128xf32, #tpu.memory_space<hbm>> -> memref<1x128x128xf32, #tpu.memory_space<hbm>>
    %dma_start3A_93 = tpu.memref_squeeze %dma_start3A_92 : memref<1x128x128xf32, #tpu.memory_space<hbm>> -> memref<128x128xf32, #tpu.memory_space<hbm>>
    %dma_start3A_94 = arith.constant 0 : i32
    %dma_start3A_95 = tpu.memref_slice %arg6[%select_n3A, %add3A_90, %dma_start3A_94] : memref<4x8192x128xf32, #tpu.memory_space<hbm>> -> memref<1x128x128xf32, #tpu.memory_space<hbm>>
    %dma_start3A_96 = tpu.memref_squeeze %dma_start3A_95 : memref<1x128x128xf32, #tpu.memory_space<hbm>> -> memref<128x128xf32, #tpu.memory_space<hbm>>
    tpu.enqueue_dma source(%arg9 : memref<128x128xf32, #tpu.memory_space<vmem>>) target(%dma_start3A_96 : memref<128x128xf32, #tpu.memory_space<hbm>>) target_semaphore(%arg19 : memref<!tpu.dma_semaphore, #tpu.memory_space<semaphore_mem>>)
    %dma_wait3A_97 = arith.constant 128 : i32
    %dma_wait3A_98 = tpu.memref_slice %arg7[%dma_wait3A_97] : memref<1024xi32, #tpu.memory_space<vmem>> -> memref<128xi32, #tpu.memory_space<vmem>>
    %dma_wait3A_99 = arith.constant 0 : i32
    %dma_wait3A_100 = arith.constant 0 : i32
    %dma_wait3A_101 = tpu.memref_slice %arg4[%dma_wait3A_99, %dma_wait3A_100] : memref<1000000x128xf32, #tpu.memory_space<hbm>> -> memref<1000000x128xf32, #tpu.memory_space<hbm>>
    tpu.wait_indirect_dma semaphore(%arg14 : memref<!tpu.dma_semaphore, #tpu.memory_space<semaphore_mem>>) src(%dma_wait3A_101 : memref<1000000x128xf32, #tpu.memory_space<hbm>>) dst(%arg10 : memref<128x128xf32, #tpu.memory_space<vmem>>)
    %dma_start3A_102 = arith.constant 128 : i32
    %dma_start3A_103 = tpu.memref_slice %arg8[%dma_start3A_102] : memref<1024xi32, #tpu.memory_space<vmem>> -> memref<128xi32, #tpu.memory_space<vmem>>
    %dma_start3A_104 = arith.constant 0 : i32
    %dma_start3A_105 = arith.constant 0 : i32
    %dma_start3A_106 = tpu.memref_slice %arg12[%dma_start3A_104, %dma_start3A_105] : memref<8192x128xf32, #tpu.memory_space<vmem_shared>> -> memref<8192x128xf32, #tpu.memory_space<vmem_shared>>
    tpu.enqueue_indirect_dma source(%dma_start3A_106 : memref<8192x128xf32, #tpu.memory_space<vmem_shared>>) target(%arg10 : memref<128x128xf32, #tpu.memory_space<vmem>>) offsets(%dma_start3A_103 : memref<128xi32, #tpu.memory_space<vmem>>) semaphore(%arg17 : memref<!tpu.dma_semaphore, #tpu.memory_space<semaphore_mem>>) {add = true}
    %dma_wait3A_107 = arith.constant 0 : i32
    %dma_wait3A_108 = tpu.memref_slice %arg6[%select_n3A, %add3A_90, %dma_wait3A_107] : memref<4x8192x128xf32, #tpu.memory_space<hbm>> -> memref<1x128x128xf32, #tpu.memory_space<hbm>>
    %dma_wait3A_109 = tpu.memref_squeeze %dma_wait3A_108 : memref<1x128x128xf32, #tpu.memory_space<hbm>> -> memref<128x128xf32, #tpu.memory_space<hbm>>
    %dma_wait3A_110 = arith.constant 0 : i32
    %dma_wait3A_111 = tpu.memref_slice %arg6[%select_n3A, %add3A_90, %dma_wait3A_110] : memref<4x8192x128xf32, #tpu.memory_space<hbm>> -> memref<1x128x128xf32, #tpu.memory_space<hbm>>
    %dma_wait3A_112 = tpu.memref_squeeze %dma_wait3A_111 : memref<1x128x128xf32, #tpu.memory_space<hbm>> -> memref<128x128xf32, #tpu.memory_space<hbm>>
    tpu.wait_dma2 semaphore(%arg19 : memref<!tpu.dma_semaphore, #tpu.memory_space<semaphore_mem>>) src(%arg9 : memref<128x128xf32, #tpu.memory_space<vmem>>) dst(%dma_wait3A_112 : memref<128x128xf32, #tpu.memory_space<hbm>>)
    %dma_start3A_113 = arith.constant 384 : i32
    %dma_start3A_114 = tpu.memref_slice %arg7[%dma_start3A_113] : memref<1024xi32, #tpu.memory_space<vmem>> -> memref<128xi32, #tpu.memory_space<vmem>>
    %dma_start3A_115 = arith.constant 0 : i32
    %dma_start3A_116 = arith.constant 0 : i32
    %dma_start3A_117 = tpu.memref_slice %arg4[%dma_start3A_115, %dma_start3A_116] : memref<1000000x128xf32, #tpu.memory_space<hbm>> -> memref<1000000x128xf32, #tpu.memory_space<hbm>>
    tpu.enqueue_indirect_dma source(%dma_start3A_117 : memref<1000000x128xf32, #tpu.memory_space<hbm>>) target(%arg9 : memref<128x128xf32, #tpu.memory_space<vmem>>) offsets(%dma_start3A_114 : memref<128xi32, #tpu.memory_space<vmem>>) semaphore(%arg13 : memref<!tpu.dma_semaphore, #tpu.memory_space<semaphore_mem>>)
    %dma_wait3A_118 = arith.constant 128 : i32
    %dma_wait3A_119 = tpu.memref_slice %arg8[%dma_wait3A_118] : memref<1024xi32, #tpu.memory_space<vmem>> -> memref<128xi32, #tpu.memory_space<vmem>>
    %dma_wait3A_120 = arith.constant 0 : i32
    %dma_wait3A_121 = arith.constant 0 : i32
    %dma_wait3A_122 = tpu.memref_slice %arg12[%dma_wait3A_120, %dma_wait3A_121] : memref<8192x128xf32, #tpu.memory_space<vmem_shared>> -> memref<8192x128xf32, #tpu.memory_space<vmem_shared>>
    tpu.wait_indirect_dma semaphore(%arg17 : memref<!tpu.dma_semaphore, #tpu.memory_space<semaphore_mem>>) src(%dma_wait3A_122 : memref<8192x128xf32, #tpu.memory_space<vmem_shared>>) dst(%arg10 : memref<128x128xf32, #tpu.memory_space<vmem>>)
    %add3A_123 = arith.constant 128 : i32
    %add3A_124 = arith.addi %mul3A_32, %add3A_123 : i32
    %dma_start3A_125 = arith.constant 0 : i32
    %dma_start3A_126 = tpu.memref_slice %arg6[%select_n3A, %add3A_124, %dma_start3A_125] : memref<4x8192x128xf32, #tpu.memory_space<hbm>> -> memref<1x128x128xf32, #tpu.memory_space<hbm>>
    %dma_start3A_127 = tpu.memref_squeeze %dma_start3A_126 : memref<1x128x128xf32, #tpu.memory_space<hbm>> -> memref<128x128xf32, #tpu.memory_space<hbm>>
    %dma_start3A_128 = arith.constant 0 : i32
    %dma_start3A_129 = tpu.memref_slice %arg6[%select_n3A, %add3A_124, %dma_start3A_128] : memref<4x8192x128xf32, #tpu.memory_space<hbm>> -> memref<1x128x128xf32, #tpu.memory_space<hbm>>
    %dma_start3A_130 = tpu.memref_squeeze %dma_start3A_129 : memref<1x128x128xf32, #tpu.memory_space<hbm>> -> memref<128x128xf32, #tpu.memory_space<hbm>>
    tpu.enqueue_dma source(%arg10 : memref<128x128xf32, #tpu.memory_space<vmem>>) target(%dma_start3A_130 : memref<128x128xf32, #tpu.memory_space<hbm>>) target_semaphore(%arg19 : memref<!tpu.dma_semaphore, #tpu.memory_space<semaphore_mem>>)
    %dma_wait3A_131 = arith.constant 256 : i32
    %dma_wait3A_132 = tpu.memref_slice %arg7[%dma_wait3A_131] : memref<1024xi32, #tpu.memory_space<vmem>> -> memref<128xi32, #tpu.memory_space<vmem>>
    %dma_wait3A_133 = arith.constant 0 : i32
    %dma_wait3A_134 = arith.constant 0 : i32
    %dma_wait3A_135 = tpu.memref_slice %arg4[%dma_wait3A_133, %dma_wait3A_134] : memref<1000000x128xf32, #tpu.memory_space<hbm>> -> memref<1000000x128xf32, #tpu.memory_space<hbm>>
    tpu.wait_indirect_dma semaphore(%arg15 : memref<!tpu.dma_semaphore, #tpu.memory_space<semaphore_mem>>) src(%dma_wait3A_135 : memref<1000000x128xf32, #tpu.memory_space<hbm>>) dst(%arg11 : memref<128x128xf32, #tpu.memory_space<vmem>>)
    %dma_start3A_136 = arith.constant 256 : i32
    %dma_start3A_137 = tpu.memref_slice %arg8[%dma_start3A_136] : memref<1024xi32, #tpu.memory_space<vmem>> -> memref<128xi32, #tpu.memory_space<vmem>>
    %dma_start3A_138 = arith.constant 0 : i32
    %dma_start3A_139 = arith.constant 0 : i32
    %dma_start3A_140 = tpu.memref_slice %arg12[%dma_start3A_138, %dma_start3A_139] : memref<8192x128xf32, #tpu.memory_space<vmem_shared>> -> memref<8192x128xf32, #tpu.memory_space<vmem_shared>>
    tpu.enqueue_indirect_dma source(%dma_start3A_140 : memref<8192x128xf32, #tpu.memory_space<vmem_shared>>) target(%arg11 : memref<128x128xf32, #tpu.memory_space<vmem>>) offsets(%dma_start3A_137 : memref<128xi32, #tpu.memory_space<vmem>>) semaphore(%arg18 : memref<!tpu.dma_semaphore, #tpu.memory_space<semaphore_mem>>) {add = true}
    %dma_wait3A_141 = arith.constant 0 : i32
    %dma_wait3A_142 = tpu.memref_slice %arg6[%select_n3A, %add3A_124, %dma_wait3A_141] : memref<4x8192x128xf32, #tpu.memory_space<hbm>> -> memref<1x128x128xf32, #tpu.memory_space<hbm>>
    %dma_wait3A_143 = tpu.memref_squeeze %dma_wait3A_142 : memref<1x128x128xf32, #tpu.memory_space<hbm>> -> memref<128x128xf32, #tpu.memory_space<hbm>>
    %dma_wait3A_144 = arith.constant 0 : i32
    %dma_wait3A_145 = tpu.memref_slice %arg6[%select_n3A, %add3A_124, %dma_wait3A_144] : memref<4x8192x128xf32, #tpu.memory_space<hbm>> -> memref<1x128x128xf32, #tpu.memory_space<hbm>>
    %dma_wait3A_146 = tpu.memref_squeeze %dma_wait3A_145 : memref<1x128x128xf32, #tpu.memory_space<hbm>> -> memref<128x128xf32, #tpu.memory_space<hbm>>
    tpu.wait_dma2 semaphore(%arg19 : memref<!tpu.dma_semaphore, #tpu.memory_space<semaphore_mem>>) src(%arg10 : memref<128x128xf32, #tpu.memory_space<vmem>>) dst(%dma_wait3A_146 : memref<128x128xf32, #tpu.memory_space<hbm>>)
    %dma_start3A_147 = arith.constant 512 : i32
    %dma_start3A_148 = tpu.memref_slice %arg7[%dma_start3A_147] : memref<1024xi32, #tpu.memory_space<vmem>> -> memref<128xi32, #tpu.memory_space<vmem>>
    %dma_start3A_149 = arith.constant 0 : i32
    %dma_start3A_150 = arith.constant 0 : i32
    %dma_start3A_151 = tpu.memref_slice %arg4[%dma_start3A_149, %dma_start3A_150] : memref<1000000x128xf32, #tpu.memory_space<hbm>> -> memref<1000000x128xf32, #tpu.memory_space<hbm>>
    tpu.enqueue_indirect_dma source(%dma_start3A_151 : memref<1000000x128xf32, #tpu.memory_space<hbm>>) target(%arg10 : memref<128x128xf32, #tpu.memory_space<vmem>>) offsets(%dma_start3A_148 : memref<128xi32, #tpu.memory_space<vmem>>) semaphore(%arg14 : memref<!tpu.dma_semaphore, #tpu.memory_space<semaphore_mem>>)
    %dma_wait3A_152 = arith.constant 256 : i32
    %dma_wait3A_153 = tpu.memref_slice %arg8[%dma_wait3A_152] : memref<1024xi32, #tpu.memory_space<vmem>> -> memref<128xi32, #tpu.memory_space<vmem>>
    %dma_wait3A_154 = arith.constant 0 : i32
    %dma_wait3A_155 = arith.constant 0 : i32
    %dma_wait3A_156 = tpu.memref_slice %arg12[%dma_wait3A_154, %dma_wait3A_155] : memref<8192x128xf32, #tpu.memory_space<vmem_shared>> -> memref<8192x128xf32, #tpu.memory_space<vmem_shared>>
    tpu.wait_indirect_dma semaphore(%arg18 : memref<!tpu.dma_semaphore, #tpu.memory_space<semaphore_mem>>) src(%dma_wait3A_156 : memref<8192x128xf32, #tpu.memory_space<vmem_shared>>) dst(%arg11 : memref<128x128xf32, #tpu.memory_space<vmem>>)
    %add3A_157 = arith.constant 256 : i32
    %add3A_158 = arith.addi %mul3A_32, %add3A_157 : i32
    %dma_start3A_159 = arith.constant 0 : i32
    %dma_start3A_160 = tpu.memref_slice %arg6[%select_n3A, %add3A_158, %dma_start3A_159] : memref<4x8192x128xf32, #tpu.memory_space<hbm>> -> memref<1x128x128xf32, #tpu.memory_space<hbm>>
    %dma_start3A_161 = tpu.memref_squeeze %dma_start3A_160 : memref<1x128x128xf32, #tpu.memory_space<hbm>> -> memref<128x128xf32, #tpu.memory_space<hbm>>
    %dma_start3A_162 = arith.constant 0 : i32
    %dma_start3A_163 = tpu.memref_slice %arg6[%select_n3A, %add3A_158, %dma_start3A_162] : memref<4x8192x128xf32, #tpu.memory_space<hbm>> -> memref<1x128x128xf32, #tpu.memory_space<hbm>>
    %dma_start3A_164 = tpu.memref_squeeze %dma_start3A_163 : memref<1x128x128xf32, #tpu.memory_space<hbm>> -> memref<128x128xf32, #tpu.memory_space<hbm>>
    tpu.enqueue_dma source(%arg11 : memref<128x128xf32, #tpu.memory_space<vmem>>) target(%dma_start3A_164 : memref<128x128xf32, #tpu.memory_space<hbm>>) target_semaphore(%arg19 : memref<!tpu.dma_semaphore, #tpu.memory_space<semaphore_mem>>)
    %dma_wait3A_165 = arith.constant 384 : i32
    %dma_wait3A_166 = tpu.memref_slice %arg7[%dma_wait3A_165] : memref<1024xi32, #tpu.memory_space<vmem>> -> memref<128xi32, #tpu.memory_space<vmem>>
    %dma_wait3A_167 = arith.constant 0 : i32
    %dma_wait3A_168 = arith.constant 0 : i32
    %dma_wait3A_169 = tpu.memref_slice %arg4[%dma_wait3A_167, %dma_wait3A_168] : memref<1000000x128xf32, #tpu.memory_space<hbm>> -> memref<1000000x128xf32, #tpu.memory_space<hbm>>
    tpu.wait_indirect_dma semaphore(%arg13 : memref<!tpu.dma_semaphore, #tpu.memory_space<semaphore_mem>>) src(%dma_wait3A_169 : memref<1000000x128xf32, #tpu.memory_space<hbm>>) dst(%arg9 : memref<128x128xf32, #tpu.memory_space<vmem>>)
    %dma_start3A_170 = arith.constant 384 : i32
    %dma_start3A_171 = tpu.memref_slice %arg8[%dma_start3A_170] : memref<1024xi32, #tpu.memory_space<vmem>> -> memref<128xi32, #tpu.memory_space<vmem>>
    %dma_start3A_172 = arith.constant 0 : i32
    %dma_start3A_173 = arith.constant 0 : i32
    %dma_start3A_174 = tpu.memref_slice %arg12[%dma_start3A_172, %dma_start3A_173] : memref<8192x128xf32, #tpu.memory_space<vmem_shared>> -> memref<8192x128xf32, #tpu.memory_space<vmem_shared>>
    tpu.enqueue_indirect_dma source(%dma_start3A_174 : memref<8192x128xf32, #tpu.memory_space<vmem_shared>>) target(%arg9 : memref<128x128xf32, #tpu.memory_space<vmem>>) offsets(%dma_start3A_171 : memref<128xi32, #tpu.memory_space<vmem>>) semaphore(%arg16 : memref<!tpu.dma_semaphore, #tpu.memory_space<semaphore_mem>>) {add = true}
    %dma_wait3A_175 = arith.constant 0 : i32
    %dma_wait3A_176 = tpu.memref_slice %arg6[%select_n3A, %add3A_158, %dma_wait3A_175] : memref<4x8192x128xf32, #tpu.memory_space<hbm>> -> memref<1x128x128xf32, #tpu.memory_space<hbm>>
    %dma_wait3A_177 = tpu.memref_squeeze %dma_wait3A_176 : memref<1x128x128xf32, #tpu.memory_space<hbm>> -> memref<128x128xf32, #tpu.memory_space<hbm>>
    %dma_wait3A_178 = arith.constant 0 : i32
    %dma_wait3A_179 = tpu.memref_slice %arg6[%select_n3A, %add3A_158, %dma_wait3A_178] : memref<4x8192x128xf32, #tpu.memory_space<hbm>> -> memref<1x128x128xf32, #tpu.memory_space<hbm>>
    %dma_wait3A_180 = tpu.memref_squeeze %dma_wait3A_179 : memref<1x128x128xf32, #tpu.memory_space<hbm>> -> memref<128x128xf32, #tpu.memory_space<hbm>>
    tpu.wait_dma2 semaphore(%arg19 : memref<!tpu.dma_semaphore, #tpu.memory_space<semaphore_mem>>) src(%arg11 : memref<128x128xf32, #tpu.memory_space<vmem>>) dst(%dma_wait3A_180 : memref<128x128xf32, #tpu.memory_space<hbm>>)
    %dma_start3A_181 = arith.constant 640 : i32
    %dma_start3A_182 = tpu.memref_slice %arg7[%dma_start3A_181] : memref<1024xi32, #tpu.memory_space<vmem>> -> memref<128xi32, #tpu.memory_space<vmem>>
    %dma_start3A_183 = arith.constant 0 : i32
    %dma_start3A_184 = arith.constant 0 : i32
    %dma_start3A_185 = tpu.memref_slice %arg4[%dma_start3A_183, %dma_start3A_184] : memref<1000000x128xf32, #tpu.memory_space<hbm>> -> memref<1000000x128xf32, #tpu.memory_space<hbm>>
    tpu.enqueue_indirect_dma source(%dma_start3A_185 : memref<1000000x128xf32, #tpu.memory_space<hbm>>) target(%arg11 : memref<128x128xf32, #tpu.memory_space<vmem>>) offsets(%dma_start3A_182 : memref<128xi32, #tpu.memory_space<vmem>>) semaphore(%arg15 : memref<!tpu.dma_semaphore, #tpu.memory_space<semaphore_mem>>)
    %dma_wait3A_186 = arith.constant 384 : i32
    %dma_wait3A_187 = tpu.memref_slice %arg8[%dma_wait3A_186] : memref<1024xi32, #tpu.memory_space<vmem>> -> memref<128xi32, #tpu.memory_space<vmem>>
    %dma_wait3A_188 = arith.constant 0 : i32
    %dma_wait3A_189 = arith.constant 0 : i32
    %dma_wait3A_190 = tpu.memref_slice %arg12[%dma_wait3A_188, %dma_wait3A_189] : memref<8192x128xf32, #tpu.memory_space<vmem_shared>> -> memref<8192x128xf32, #tpu.memory_space<vmem_shared>>
    tpu.wait_indirect_dma semaphore(%arg16 : memref<!tpu.dma_semaphore, #tpu.memory_space<semaphore_mem>>) src(%dma_wait3A_190 : memref<8192x128xf32, #tpu.memory_space<vmem_shared>>) dst(%arg9 : memref<128x128xf32, #tpu.memory_space<vmem>>)
    %add3A_191 = arith.constant 384 : i32
    %add3A_192 = arith.addi %mul3A_32, %add3A_191 : i32
    %dma_start3A_193 = arith.constant 0 : i32
    %dma_start3A_194 = tpu.memref_slice %arg6[%select_n3A, %add3A_192, %dma_start3A_193] : memref<4x8192x128xf32, #tpu.memory_space<hbm>> -> memref<1x128x128xf32, #tpu.memory_space<hbm>>
    %dma_start3A_195 = tpu.memref_squeeze %dma_start3A_194 : memref<1x128x128xf32, #tpu.memory_space<hbm>> -> memref<128x128xf32, #tpu.memory_space<hbm>>
    %dma_start3A_196 = arith.constant 0 : i32
    %dma_start3A_197 = tpu.memref_slice %arg6[%select_n3A, %add3A_192, %dma_start3A_196] : memref<4x8192x128xf32, #tpu.memory_space<hbm>> -> memref<1x128x128xf32, #tpu.memory_space<hbm>>
    %dma_start3A_198 = tpu.memref_squeeze %dma_start3A_197 : memref<1x128x128xf32, #tpu.memory_space<hbm>> -> memref<128x128xf32, #tpu.memory_space<hbm>>
    tpu.enqueue_dma source(%arg9 : memref<128x128xf32, #tpu.memory_space<vmem>>) target(%dma_start3A_198 : memref<128x128xf32, #tpu.memory_space<hbm>>) target_semaphore(%arg19 : memref<!tpu.dma_semaphore, #tpu.memory_space<semaphore_mem>>)
    %dma_wait3A_199 = arith.constant 512 : i32
    %dma_wait3A_200 = tpu.memref_slice %arg7[%dma_wait3A_199] : memref<1024xi32, #tpu.memory_space<vmem>> -> memref<128xi32, #tpu.memory_space<vmem>>
    %dma_wait3A_201 = arith.constant 0 : i32
    %dma_wait3A_202 = arith.constant 0 : i32
    %dma_wait3A_203 = tpu.memref_slice %arg4[%dma_wait3A_201, %dma_wait3A_202] : memref<1000000x128xf32, #tpu.memory_space<hbm>> -> memref<1000000x128xf32, #tpu.memory_space<hbm>>
    tpu.wait_indirect_dma semaphore(%arg14 : memref<!tpu.dma_semaphore, #tpu.memory_space<semaphore_mem>>) src(%dma_wait3A_203 : memref<1000000x128xf32, #tpu.memory_space<hbm>>) dst(%arg10 : memref<128x128xf32, #tpu.memory_space<vmem>>)
    %dma_start3A_204 = arith.constant 512 : i32
    %dma_start3A_205 = tpu.memref_slice %arg8[%dma_start3A_204] : memref<1024xi32, #tpu.memory_space<vmem>> -> memref<128xi32, #tpu.memory_space<vmem>>
    %dma_start3A_206 = arith.constant 0 : i32
    %dma_start3A_207 = arith.constant 0 : i32
    %dma_start3A_208 = tpu.memref_slice %arg12[%dma_start3A_206, %dma_start3A_207] : memref<8192x128xf32, #tpu.memory_space<vmem_shared>> -> memref<8192x128xf32, #tpu.memory_space<vmem_shared>>
    tpu.enqueue_indirect_dma source(%dma_start3A_208 : memref<8192x128xf32, #tpu.memory_space<vmem_shared>>) target(%arg10 : memref<128x128xf32, #tpu.memory_space<vmem>>) offsets(%dma_start3A_205 : memref<128xi32, #tpu.memory_space<vmem>>) semaphore(%arg17 : memref<!tpu.dma_semaphore, #tpu.memory_space<semaphore_mem>>) {add = true}
    %dma_wait3A_209 = arith.constant 0 : i32
    %dma_wait3A_210 = tpu.memref_slice %arg6[%select_n3A, %add3A_192, %dma_wait3A_209] : memref<4x8192x128xf32, #tpu.memory_space<hbm>> -> memref<1x128x128xf32, #tpu.memory_space<hbm>>
    %dma_wait3A_211 = tpu.memref_squeeze %dma_wait3A_210 : memref<1x128x128xf32, #tpu.memory_space<hbm>> -> memref<128x128xf32, #tpu.memory_space<hbm>>
    %dma_wait3A_212 = arith.constant 0 : i32
    %dma_wait3A_213 = tpu.memref_slice %arg6[%select_n3A, %add3A_192, %dma_wait3A_212] : memref<4x8192x128xf32, #tpu.memory_space<hbm>> -> memref<1x128x128xf32, #tpu.memory_space<hbm>>
    %dma_wait3A_214 = tpu.memref_squeeze %dma_wait3A_213 : memref<1x128x128xf32, #tpu.memory_space<hbm>> -> memref<128x128xf32, #tpu.memory_space<hbm>>
    tpu.wait_dma2 semaphore(%arg19 : memref<!tpu.dma_semaphore, #tpu.memory_space<semaphore_mem>>) src(%arg9 : memref<128x128xf32, #tpu.memory_space<vmem>>) dst(%dma_wait3A_214 : memref<128x128xf32, #tpu.memory_space<hbm>>)
    %dma_start3A_215 = arith.constant 768 : i32
    %dma_start3A_216 = tpu.memref_slice %arg7[%dma_start3A_215] : memref<1024xi32, #tpu.memory_space<vmem>> -> memref<128xi32, #tpu.memory_space<vmem>>
    %dma_start3A_217 = arith.constant 0 : i32
    %dma_start3A_218 = arith.constant 0 : i32
    %dma_start3A_219 = tpu.memref_slice %arg4[%dma_start3A_217, %dma_start3A_218] : memref<1000000x128xf32, #tpu.memory_space<hbm>> -> memref<1000000x128xf32, #tpu.memory_space<hbm>>
    tpu.enqueue_indirect_dma source(%dma_start3A_219 : memref<1000000x128xf32, #tpu.memory_space<hbm>>) target(%arg9 : memref<128x128xf32, #tpu.memory_space<vmem>>) offsets(%dma_start3A_216 : memref<128xi32, #tpu.memory_space<vmem>>) semaphore(%arg13 : memref<!tpu.dma_semaphore, #tpu.memory_space<semaphore_mem>>)
    %dma_wait3A_220 = arith.constant 512 : i32
    %dma_wait3A_221 = tpu.memref_slice %arg8[%dma_wait3A_220] : memref<1024xi32, #tpu.memory_space<vmem>> -> memref<128xi32, #tpu.memory_space<vmem>>
    %dma_wait3A_222 = arith.constant 0 : i32
    %dma_wait3A_223 = arith.constant 0 : i32
    %dma_wait3A_224 = tpu.memref_slice %arg12[%dma_wait3A_222, %dma_wait3A_223] : memref<8192x128xf32, #tpu.memory_space<vmem_shared>> -> memref<8192x128xf32, #tpu.memory_space<vmem_shared>>
    tpu.wait_indirect_dma semaphore(%arg17 : memref<!tpu.dma_semaphore, #tpu.memory_space<semaphore_mem>>) src(%dma_wait3A_224 : memref<8192x128xf32, #tpu.memory_space<vmem_shared>>) dst(%arg10 : memref<128x128xf32, #tpu.memory_space<vmem>>)
    %add3A_225 = arith.constant 512 : i32
    %add3A_226 = arith.addi %mul3A_32, %add3A_225 : i32
    %dma_start3A_227 = arith.constant 0 : i32
    %dma_start3A_228 = tpu.memref_slice %arg6[%select_n3A, %add3A_226, %dma_start3A_227] : memref<4x8192x128xf32, #tpu.memory_space<hbm>> -> memref<1x128x128xf32, #tpu.memory_space<hbm>>
    %dma_start3A_229 = tpu.memref_squeeze %dma_start3A_228 : memref<1x128x128xf32, #tpu.memory_space<hbm>> -> memref<128x128xf32, #tpu.memory_space<hbm>>
    %dma_start3A_230 = arith.constant 0 : i32
    %dma_start3A_231 = tpu.memref_slice %arg6[%select_n3A, %add3A_226, %dma_start3A_230] : memref<4x8192x128xf32, #tpu.memory_space<hbm>> -> memref<1x128x128xf32, #tpu.memory_space<hbm>>
    %dma_start3A_232 = tpu.memref_squeeze %dma_start3A_231 : memref<1x128x128xf32, #tpu.memory_space<hbm>> -> memref<128x128xf32, #tpu.memory_space<hbm>>
    tpu.enqueue_dma source(%arg10 : memref<128x128xf32, #tpu.memory_space<vmem>>) target(%dma_start3A_232 : memref<128x128xf32, #tpu.memory_space<hbm>>) target_semaphore(%arg19 : memref<!tpu.dma_semaphore, #tpu.memory_space<semaphore_mem>>)
    %dma_wait3A_233 = arith.constant 640 : i32
    %dma_wait3A_234 = tpu.memref_slice %arg7[%dma_wait3A_233] : memref<1024xi32, #tpu.memory_space<vmem>> -> memref<128xi32, #tpu.memory_space<vmem>>
    %dma_wait3A_235 = arith.constant 0 : i32
    %dma_wait3A_236 = arith.constant 0 : i32
    %dma_wait3A_237 = tpu.memref_slice %arg4[%dma_wait3A_235, %dma_wait3A_236] : memref<1000000x128xf32, #tpu.memory_space<hbm>> -> memref<1000000x128xf32, #tpu.memory_space<hbm>>
    tpu.wait_indirect_dma semaphore(%arg15 : memref<!tpu.dma_semaphore, #tpu.memory_space<semaphore_mem>>) src(%dma_wait3A_237 : memref<1000000x128xf32, #tpu.memory_space<hbm>>) dst(%arg11 : memref<128x128xf32, #tpu.memory_space<vmem>>)
    %dma_start3A_238 = arith.constant 640 : i32
    %dma_start3A_239 = tpu.memref_slice %arg8[%dma_start3A_238] : memref<1024xi32, #tpu.memory_space<vmem>> -> memref<128xi32, #tpu.memory_space<vmem>>
    %dma_start3A_240 = arith.constant 0 : i32
    %dma_start3A_241 = arith.constant 0 : i32
    %dma_start3A_242 = tpu.memref_slice %arg12[%dma_start3A_240, %dma_start3A_241] : memref<8192x128xf32, #tpu.memory_space<vmem_shared>> -> memref<8192x128xf32, #tpu.memory_space<vmem_shared>>
    tpu.enqueue_indirect_dma source(%dma_start3A_242 : memref<8192x128xf32, #tpu.memory_space<vmem_shared>>) target(%arg11 : memref<128x128xf32, #tpu.memory_space<vmem>>) offsets(%dma_start3A_239 : memref<128xi32, #tpu.memory_space<vmem>>) semaphore(%arg18 : memref<!tpu.dma_semaphore, #tpu.memory_space<semaphore_mem>>) {add = true}
    %dma_wait3A_243 = arith.constant 0 : i32
    %dma_wait3A_244 = tpu.memref_slice %arg6[%select_n3A, %add3A_226, %dma_wait3A_243] : memref<4x8192x128xf32, #tpu.memory_space<hbm>> -> memref<1x128x128xf32, #tpu.memory_space<hbm>>
    %dma_wait3A_245 = tpu.memref_squeeze %dma_wait3A_244 : memref<1x128x128xf32, #tpu.memory_space<hbm>> -> memref<128x128xf32, #tpu.memory_space<hbm>>
    %dma_wait3A_246 = arith.constant 0 : i32
    %dma_wait3A_247 = tpu.memref_slice %arg6[%select_n3A, %add3A_226, %dma_wait3A_246] : memref<4x8192x128xf32, #tpu.memory_space<hbm>> -> memref<1x128x128xf32, #tpu.memory_space<hbm>>
    %dma_wait3A_248 = tpu.memref_squeeze %dma_wait3A_247 : memref<1x128x128xf32, #tpu.memory_space<hbm>> -> memref<128x128xf32, #tpu.memory_space<hbm>>
    tpu.wait_dma2 semaphore(%arg19 : memref<!tpu.dma_semaphore, #tpu.memory_space<semaphore_mem>>) src(%arg10 : memref<128x128xf32, #tpu.memory_space<vmem>>) dst(%dma_wait3A_248 : memref<128x128xf32, #tpu.memory_space<hbm>>)
    %dma_start3A_249 = arith.constant 896 : i32
    %dma_start3A_250 = tpu.memref_slice %arg7[%dma_start3A_249] : memref<1024xi32, #tpu.memory_space<vmem>> -> memref<128xi32, #tpu.memory_space<vmem>>
    %dma_start3A_251 = arith.constant 0 : i32
    %dma_start3A_252 = arith.constant 0 : i32
    %dma_start3A_253 = tpu.memref_slice %arg4[%dma_start3A_251, %dma_start3A_252] : memref<1000000x128xf32, #tpu.memory_space<hbm>> -> memref<1000000x128xf32, #tpu.memory_space<hbm>>
    tpu.enqueue_indirect_dma source(%dma_start3A_253 : memref<1000000x128xf32, #tpu.memory_space<hbm>>) target(%arg10 : memref<128x128xf32, #tpu.memory_space<vmem>>) offsets(%dma_start3A_250 : memref<128xi32, #tpu.memory_space<vmem>>) semaphore(%arg14 : memref<!tpu.dma_semaphore, #tpu.memory_space<semaphore_mem>>)
    %dma_wait3A_254 = arith.constant 640 : i32
    %dma_wait3A_255 = tpu.memref_slice %arg8[%dma_wait3A_254] : memref<1024xi32, #tpu.memory_space<vmem>> -> memref<128xi32, #tpu.memory_space<vmem>>
    %dma_wait3A_256 = arith.constant 0 : i32
    %dma_wait3A_257 = arith.constant 0 : i32
    %dma_wait3A_258 = tpu.memref_slice %arg12[%dma_wait3A_256, %dma_wait3A_257] : memref<8192x128xf32, #tpu.memory_space<vmem_shared>> -> memref<8192x128xf32, #tpu.memory_space<vmem_shared>>
    tpu.wait_indirect_dma semaphore(%arg18 : memref<!tpu.dma_semaphore, #tpu.memory_space<semaphore_mem>>) src(%dma_wait3A_258 : memref<8192x128xf32, #tpu.memory_space<vmem_shared>>) dst(%arg11 : memref<128x128xf32, #tpu.memory_space<vmem>>)
    %add3A_259 = arith.constant 640 : i32
    %add3A_260 = arith.addi %mul3A_32, %add3A_259 : i32
    %dma_start3A_261 = arith.constant 0 : i32
    %dma_start3A_262 = tpu.memref_slice %arg6[%select_n3A, %add3A_260, %dma_start3A_261] : memref<4x8192x128xf32, #tpu.memory_space<hbm>> -> memref<1x128x128xf32, #tpu.memory_space<hbm>>
    %dma_start3A_263 = tpu.memref_squeeze %dma_start3A_262 : memref<1x128x128xf32, #tpu.memory_space<hbm>> -> memref<128x128xf32, #tpu.memory_space<hbm>>
    %dma_start3A_264 = arith.constant 0 : i32
    %dma_start3A_265 = tpu.memref_slice %arg6[%select_n3A, %add3A_260, %dma_start3A_264] : memref<4x8192x128xf32, #tpu.memory_space<hbm>> -> memref<1x128x128xf32, #tpu.memory_space<hbm>>
    %dma_start3A_266 = tpu.memref_squeeze %dma_start3A_265 : memref<1x128x128xf32, #tpu.memory_space<hbm>> -> memref<128x128xf32, #tpu.memory_space<hbm>>
    tpu.enqueue_dma source(%arg11 : memref<128x128xf32, #tpu.memory_space<vmem>>) target(%dma_start3A_266 : memref<128x128xf32, #tpu.memory_space<hbm>>) target_semaphore(%arg19 : memref<!tpu.dma_semaphore, #tpu.memory_space<semaphore_mem>>)
    %dma_wait3A_267 = arith.constant 768 : i32
    %dma_wait3A_268 = tpu.memref_slice %arg7[%dma_wait3A_267] : memref<1024xi32, #tpu.memory_space<vmem>> -> memref<128xi32, #tpu.memory_space<vmem>>
    %dma_wait3A_269 = arith.constant 0 : i32
    %dma_wait3A_270 = arith.constant 0 : i32
    %dma_wait3A_271 = tpu.memref_slice %arg4[%dma_wait3A_269, %dma_wait3A_270] : memref<1000000x128xf32, #tpu.memory_space<hbm>> -> memref<1000000x128xf32, #tpu.memory_space<hbm>>
    tpu.wait_indirect_dma semaphore(%arg13 : memref<!tpu.dma_semaphore, #tpu.memory_space<semaphore_mem>>) src(%dma_wait3A_271 : memref<1000000x128xf32, #tpu.memory_space<hbm>>) dst(%arg9 : memref<128x128xf32, #tpu.memory_space<vmem>>)
    %dma_start3A_272 = arith.constant 768 : i32
    %dma_start3A_273 = tpu.memref_slice %arg8[%dma_start3A_272] : memref<1024xi32, #tpu.memory_space<vmem>> -> memref<128xi32, #tpu.memory_space<vmem>>
    %dma_start3A_274 = arith.constant 0 : i32
    %dma_start3A_275 = arith.constant 0 : i32
    %dma_start3A_276 = tpu.memref_slice %arg12[%dma_start3A_274, %dma_start3A_275] : memref<8192x128xf32, #tpu.memory_space<vmem_shared>> -> memref<8192x128xf32, #tpu.memory_space<vmem_shared>>
    tpu.enqueue_indirect_dma source(%dma_start3A_276 : memref<8192x128xf32, #tpu.memory_space<vmem_shared>>) target(%arg9 : memref<128x128xf32, #tpu.memory_space<vmem>>) offsets(%dma_start3A_273 : memref<128xi32, #tpu.memory_space<vmem>>) semaphore(%arg16 : memref<!tpu.dma_semaphore, #tpu.memory_space<semaphore_mem>>) {add = true}
    %dma_wait3A_277 = arith.constant 768 : i32
    %dma_wait3A_278 = tpu.memref_slice %arg8[%dma_wait3A_277] : memref<1024xi32, #tpu.memory_space<vmem>> -> memref<128xi32, #tpu.memory_space<vmem>>
    %dma_wait3A_279 = arith.constant 0 : i32
    %dma_wait3A_280 = arith.constant 0 : i32
    %dma_wait3A_281 = tpu.memref_slice %arg12[%dma_wait3A_279, %dma_wait3A_280] : memref<8192x128xf32, #tpu.memory_space<vmem_shared>> -> memref<8192x128xf32, #tpu.memory_space<vmem_shared>>
    tpu.wait_indirect_dma semaphore(%arg16 : memref<!tpu.dma_semaphore, #tpu.memory_space<semaphore_mem>>) src(%dma_wait3A_281 : memref<8192x128xf32, #tpu.memory_space<vmem_shared>>) dst(%arg9 : memref<128x128xf32, #tpu.memory_space<vmem>>)
    %add3A_282 = arith.constant 768 : i32
    %add3A_283 = arith.addi %mul3A_32, %add3A_282 : i32
    %dma_start3A_284 = arith.constant 0 : i32
    %dma_start3A_285 = tpu.memref_slice %arg6[%select_n3A, %add3A_283, %dma_start3A_284] : memref<4x8192x128xf32, #tpu.memory_space<hbm>> -> memref<1x128x128xf32, #tpu.memory_space<hbm>>
    %dma_start3A_286 = tpu.memref_squeeze %dma_start3A_285 : memref<1x128x128xf32, #tpu.memory_space<hbm>> -> memref<128x128xf32, #tpu.memory_space<hbm>>
    %dma_start3A_287 = arith.constant 0 : i32
    %dma_start3A_288 = tpu.memref_slice %arg6[%select_n3A, %add3A_283, %dma_start3A_287] : memref<4x8192x128xf32, #tpu.memory_space<hbm>> -> memref<1x128x128xf32, #tpu.memory_space<hbm>>
    %dma_start3A_289 = tpu.memref_squeeze %dma_start3A_288 : memref<1x128x128xf32, #tpu.memory_space<hbm>> -> memref<128x128xf32, #tpu.memory_space<hbm>>
    tpu.enqueue_dma source(%arg9 : memref<128x128xf32, #tpu.memory_space<vmem>>) target(%dma_start3A_289 : memref<128x128xf32, #tpu.memory_space<hbm>>) target_semaphore(%arg19 : memref<!tpu.dma_semaphore, #tpu.memory_space<semaphore_mem>>)
    %dma_wait3A_290 = arith.constant 896 : i32
    %dma_wait3A_291 = tpu.memref_slice %arg7[%dma_wait3A_290] : memref<1024xi32, #tpu.memory_space<vmem>> -> memref<128xi32, #tpu.memory_space<vmem>>
    %dma_wait3A_292 = arith.constant 0 : i32
    %dma_wait3A_293 = arith.constant 0 : i32
    %dma_wait3A_294 = tpu.memref_slice %arg4[%dma_wait3A_292, %dma_wait3A_293] : memref<1000000x128xf32, #tpu.memory_space<hbm>> -> memref<1000000x128xf32, #tpu.memory_space<hbm>>
    tpu.wait_indirect_dma semaphore(%arg14 : memref<!tpu.dma_semaphore, #tpu.memory_space<semaphore_mem>>) src(%dma_wait3A_294 : memref<1000000x128xf32, #tpu.memory_space<hbm>>) dst(%arg10 : memref<128x128xf32, #tpu.memory_space<vmem>>)
    %dma_start3A_295 = arith.constant 896 : i32
    %dma_start3A_296 = tpu.memref_slice %arg8[%dma_start3A_295] : memref<1024xi32, #tpu.memory_space<vmem>> -> memref<128xi32, #tpu.memory_space<vmem>>
    %dma_start3A_297 = arith.constant 0 : i32
    %dma_start3A_298 = arith.constant 0 : i32
    %dma_start3A_299 = tpu.memref_slice %arg12[%dma_start3A_297, %dma_start3A_298] : memref<8192x128xf32, #tpu.memory_space<vmem_shared>> -> memref<8192x128xf32, #tpu.memory_space<vmem_shared>>
    tpu.enqueue_indirect_dma source(%dma_start3A_299 : memref<8192x128xf32, #tpu.memory_space<vmem_shared>>) target(%arg10 : memref<128x128xf32, #tpu.memory_space<vmem>>) offsets(%dma_start3A_296 : memref<128xi32, #tpu.memory_space<vmem>>) semaphore(%arg17 : memref<!tpu.dma_semaphore, #tpu.memory_space<semaphore_mem>>) {add = true}
    %dma_wait3A_300 = arith.constant 896 : i32
    %dma_wait3A_301 = tpu.memref_slice %arg8[%dma_wait3A_300] : memref<1024xi32, #tpu.memory_space<vmem>> -> memref<128xi32, #tpu.memory_space<vmem>>
    %dma_wait3A_302 = arith.constant 0 : i32
    %dma_wait3A_303 = arith.constant 0 : i32
    %dma_wait3A_304 = tpu.memref_slice %arg12[%dma_wait3A_302, %dma_wait3A_303] : memref<8192x128xf32, #tpu.memory_space<vmem_shared>> -> memref<8192x128xf32, #tpu.memory_space<vmem_shared>>
    tpu.wait_indirect_dma semaphore(%arg17 : memref<!tpu.dma_semaphore, #tpu.memory_space<semaphore_mem>>) src(%dma_wait3A_304 : memref<8192x128xf32, #tpu.memory_space<vmem_shared>>) dst(%arg10 : memref<128x128xf32, #tpu.memory_space<vmem>>)
    %add3A_305 = arith.constant 896 : i32
    %add3A_306 = arith.addi %mul3A_32, %add3A_305 : i32
    %dma_start3A_307 = arith.constant 0 : i32
    %dma_start3A_308 = tpu.memref_slice %arg6[%select_n3A, %add3A_306, %dma_start3A_307] : memref<4x8192x128xf32, #tpu.memory_space<hbm>> -> memref<1x128x128xf32, #tpu.memory_space<hbm>>
    %dma_start3A_309 = tpu.memref_squeeze %dma_start3A_308 : memref<1x128x128xf32, #tpu.memory_space<hbm>> -> memref<128x128xf32, #tpu.memory_space<hbm>>
    %dma_start3A_310 = arith.constant 0 : i32
    %dma_start3A_311 = tpu.memref_slice %arg6[%select_n3A, %add3A_306, %dma_start3A_310] : memref<4x8192x128xf32, #tpu.memory_space<hbm>> -> memref<1x128x128xf32, #tpu.memory_space<hbm>>
    %dma_start3A_312 = tpu.memref_squeeze %dma_start3A_311 : memref<1x128x128xf32, #tpu.memory_space<hbm>> -> memref<128x128xf32, #tpu.memory_space<hbm>>
    tpu.enqueue_dma source(%arg10 : memref<128x128xf32, #tpu.memory_space<vmem>>) target(%dma_start3A_312 : memref<128x128xf32, #tpu.memory_space<hbm>>) target_semaphore(%arg19 : memref<!tpu.dma_semaphore, #tpu.memory_space<semaphore_mem>>)
    %dma_wait3A_313 = arith.constant 0 : i32
    %dma_wait3A_314 = tpu.memref_slice %arg6[%select_n3A, %add3A_260, %dma_wait3A_313] : memref<4x8192x128xf32, #tpu.memory_space<hbm>> -> memref<1x128x128xf32, #tpu.memory_space<hbm>>
    %dma_wait3A_315 = tpu.memref_squeeze %dma_wait3A_314 : memref<1x128x128xf32, #tpu.memory_space<hbm>> -> memref<128x128xf32, #tpu.memory_space<hbm>>
    %dma_wait3A_316 = arith.constant 0 : i32
    %dma_wait3A_317 = tpu.memref_slice %arg6[%select_n3A, %add3A_260, %dma_wait3A_316] : memref<4x8192x128xf32, #tpu.memory_space<hbm>> -> memref<1x128x128xf32, #tpu.memory_space<hbm>>
    %dma_wait3A_318 = tpu.memref_squeeze %dma_wait3A_317 : memref<1x128x128xf32, #tpu.memory_space<hbm>> -> memref<128x128xf32, #tpu.memory_space<hbm>>
    tpu.wait_dma2 semaphore(%arg19 : memref<!tpu.dma_semaphore, #tpu.memory_space<semaphore_mem>>) src(%arg11 : memref<128x128xf32, #tpu.memory_space<vmem>>) dst(%dma_wait3A_318 : memref<128x128xf32, #tpu.memory_space<hbm>>)
    %dma_wait3A_319 = arith.constant 0 : i32
    %dma_wait3A_320 = tpu.memref_slice %arg6[%select_n3A, %add3A_283, %dma_wait3A_319] : memref<4x8192x128xf32, #tpu.memory_space<hbm>> -> memref<1x128x128xf32, #tpu.memory_space<hbm>>
    %dma_wait3A_321 = tpu.memref_squeeze %dma_wait3A_320 : memref<1x128x128xf32, #tpu.memory_space<hbm>> -> memref<128x128xf32, #tpu.memory_space<hbm>>
    %dma_wait3A_322 = arith.constant 0 : i32
    %dma_wait3A_323 = tpu.memref_slice %arg6[%select_n3A, %add3A_283, %dma_wait3A_322] : memref<4x8192x128xf32, #tpu.memory_space<hbm>> -> memref<1x128x128xf32, #tpu.memory_space<hbm>>
    %dma_wait3A_324 = tpu.memref_squeeze %dma_wait3A_323 : memref<1x128x128xf32, #tpu.memory_space<hbm>> -> memref<128x128xf32, #tpu.memory_space<hbm>>
    tpu.wait_dma2 semaphore(%arg19 : memref<!tpu.dma_semaphore, #tpu.memory_space<semaphore_mem>>) src(%arg9 : memref<128x128xf32, #tpu.memory_space<vmem>>) dst(%dma_wait3A_324 : memref<128x128xf32, #tpu.memory_space<hbm>>)
    %dma_wait3A_325 = arith.constant 0 : i32
    %dma_wait3A_326 = tpu.memref_slice %arg6[%select_n3A, %add3A_306, %dma_wait3A_325] : memref<4x8192x128xf32, #tpu.memory_space<hbm>> -> memref<1x128x128xf32, #tpu.memory_space<hbm>>
    %dma_wait3A_327 = tpu.memref_squeeze %dma_wait3A_326 : memref<1x128x128xf32, #tpu.memory_space<hbm>> -> memref<128x128xf32, #tpu.memory_space<hbm>>
    %dma_wait3A_328 = arith.constant 0 : i32
    %dma_wait3A_329 = tpu.memref_slice %arg6[%select_n3A, %add3A_306, %dma_wait3A_328] : memref<4x8192x128xf32, #tpu.memory_space<hbm>> -> memref<1x128x128xf32, #tpu.memory_space<hbm>>
    %dma_wait3A_330 = tpu.memref_squeeze %dma_wait3A_329 : memref<1x128x128xf32, #tpu.memory_space<hbm>> -> memref<128x128xf32, #tpu.memory_space<hbm>>
    tpu.wait_dma2 semaphore(%arg19 : memref<!tpu.dma_semaphore, #tpu.memory_space<semaphore_mem>>) src(%arg10 : memref<128x128xf32, #tpu.memory_space<vmem>>) dst(%dma_wait3A_330 : memref<128x128xf32, #tpu.memory_space<hbm>>)
    return
  }
}

</mosaic_0001>

<sc_bundles>
// kernel: kernel.3.cloned.1.call-start
scs
__scs_entry_jumppad:
0x0: {  	(pc) =	sbr.rel $0x88, $3  }
0x1: {  	(tag) =	ssettag $0x0;
	lr =	simm.s32 $0x1  }
0x2: {  	[smem:$0x3F9D] =	sst lr;
	_ =	strace $0xD0000000  }
0x3: {  	_ = 	snop  }
0x4: {  	_ = 	snop  }
0x5: {  	_ = 	snop  }
0x6: {  	_ = 	snop  }
0x7: {  	_ = 	snop  }
__scs_overlays_trampoline_lowered:
0x8: {  	[smem:$0x3FAC] =	sst s0  }
0x9: {  	[smem:$0x3FAD] =	sst s1  }
0xa: {  	[smem:$0x3FAE] =	sst s2  }
0xb: {  	[smem:$0x3FAF] =	sst s3  }
0xc: {  	[smem:$0x3FB0] =	sst s4  }
0xd: {  	[smem:$0x3FB1] =	sst s5  }
0xe: {  	[smem:$0x3FB2] =	sst s6  }
0xf: {  	[smem:$0x3FB3] =	sst s7  }
0x10: {  	[smem:$0x3FB4] =	sst s8  }
0x11: {  	[smem:$0x3FB5] =	sst s9;
	s0 =	simm.s32 @!p0 $0x0  }
0x12: {  	s1 =	sld [smem:$0x3F9B];
	s0 =	simm.s32 @p0 $0x1  }
0x13: {  	[smem:$0x3FB6] =	sst s0;
	s0 =	simm.s32 @!p1 $0x0  }
0x14: {  	s2 =	sld [smem:$0x3F9A];
	s0 =	simm.s32 @p1 $0x1  }
0x15: {  	[smem:$0x3FB7] =	sst s0;
	s0 =	simm.s32 @!p2 $0x0  }
0x16: {  	s3 =	sld [smem:$0x3FDB];
	s0 =	simm.s32 @p2 $0x1  }
0x17: {  	s4 =	simm.s32 $0x1BF5;
	[smem:$0x3FB9] =	sst s0  }
0x18: {  	s0 =	sld [smem:$0x3F9C];
	_ =	swait.ge [sflag:s4], $0x0  }
0x19: {  	s7 =	sld [smem:$0x3F9D]  }
0x1a: {  	s8 =	sadd.s32 $0xFFFFE003, lr  }
0x1b: {  	s9 =	sadd.s32 $0xFFFFFEF7, lr;
	s5 =	simm.s32 $0xFFFFFFFF;
	p2 =	slt.u32 s8, $0xFFFFF086  }
0x1c: {  	p1 =	slt.u32 s9, $0xF7A;
	s5 =	simm.s32 @!p2 $0x0  }
0x1d: {  	s5 =	simm.s32 @p1 $0x1;
	p0 =	seq.s32 s7, s2  }
0x1e: {  	s7 =	smul.u32 @!p0 $0xF7A, s2;
	p2 =	seq.s32 @!p0 s5, $0x0  }
0x1f: {  	s9 =	smul.u32 $0xF7A, s1;
	s8 =	simm.s32 @!p0 $0x1BF5;
	p2 =	por !p2, p0  }
0x20: {  	[sflag:s8] =	ssyncset.s32 @!p0 $0xFFFFF086;
	s6 =	sadd.s32 @!p0 s3, s7;
	s7 =	simm.s32 @!p0 $0x108  }
0x21: {  	s3 =	sadd.s32 s3, s9;
	s6 =	sadd.s32 @!p0 $0x88, s6;
	s7 =	simm.s32 @p2 $0x1082  }
0x22: {  	[simem:s7], [sflag:s8] =	dma.local @!p0 [hbm:s6], $0xF7A  }
0x23: {  	s9 =	sor.u32 $0xD0000000, s2;
	s6 =	simm.s32 $0x108;
	_ =	swait.ge @!p0 [sflag:s8], $0x0  }
0x24: {  	s3 =	sadd.s32 $0x88, s3;
	s6 =	simm.s32 @!p1 $0x1082;
	[sflag:s4] =	ssyncset.s32 $0xFFFFF086  }
0x25: {  	[simem:s6], [sflag:s4] =	dma.local [hbm:s3], $0xF7A  }
0x26: {  	[smem:$0x3F9D] =	sst s1;
	(tag) =	ssettag s2;
	_ =	strace s9  }
0x27: {  	s1 =	sld [smem:$0x3FAD]  }
0x28: {  	s2 =	sld [smem:$0x3FAE]  }
0x29: {  	s4 =	sld [smem:$0x3FB0]  }
0x2a: {  	p0 =	seq.s32 s5, $0x0;
	s5 =	sld [smem:$0x3FB1]  }
0x2b: {  	s6 =	sld [smem:$0x3FB2]  }
0x2c: {  	s7 =	sld [smem:$0x3FB3]  }
0x2d: {  	s3 =	simm.s32 $0x108;
	s8 =	sld [smem:$0x3FB4]  }
0x2e: {  	s3 =	simm.s32 @!p0 $0x1082;
	s9 =	sld [smem:$0x3FB5]  }
0x2f: {  	lr =	sadd.s32 s0, s3;
	s0 =	sld [smem:$0x3FAC]  }
0x30: {  	s3 =	sld [smem:$0x3FAF]  }
0x31: {  	[smem:$0x3FB8] =	sst s10  }
0x32: {  	s10 =	sld [smem:$0x3FB6];
	_ =	sdelay $0x3  }
0x33: {  	p0 =	seq.s32 s10, $0x1;
	s10 =	sld [smem:$0x3FB8];
	_ =	sdelay $0x3  }
0x34: {  	[smem:$0x3FB8] =	sst s10  }
0x35: {  	s10 =	sld [smem:$0x3FB7];
	_ =	sdelay $0x3  }
0x36: {  	p1 =	seq.s32 s10, $0x1;
	s10 =	sld [smem:$0x3FB8];
	_ =	sdelay $0x3  }
0x37: {  	[smem:$0x3FB8] =	sst s10  }
0x38: {  	s10 =	sld [smem:$0x3FB9]  }
0x39: {  	_ = 	snop;
	(pc) =	sbr.ind lr, $3  }
0x3a: {  	_ = 	snop  }
0x3b: {  	_ = 	snop  }
0x3c: {  	p2 =	seq.s32 s10, $0x1;
	s10 =	sld [smem:$0x3FB8]  }
0x3d: {  	_ =	shalt  }
0x3e: {  	_ =	shalt  }
0x3f: {  	_ =	shalt  }
0x40: {  	_ =	shalt  }
0x41: {  	_ =	shalt  }
0x42: {  	_ =	shalt  }
0x43: {  	_ =	shalt  }
0x44: {  	_ =	shalt  }
0x45: {  	_ =	shalt  }
0x46: {  	_ =	shalt  }
0x47: {  	_ =	shalt  }
0x48: {  	_ =	shalt  }
0x49: {  	_ =	shalt  }
0x4a: {  	_ =	shalt  }
0x4b: {  	_ =	shalt  }
0x4c: {  	_ =	shalt  }
0x4d: {  	_ =	shalt  }
0x4e: {  	_ =	shalt  }
0x4f: {  	_ =	shalt  }
0x50: {  	_ =	shalt  }
0x51: {  	_ =	shalt  }
0x52: {  	_ =	shalt  }
0x53: {  	_ =	shalt  }
0x54: {  	_ =	shalt  }
0x55: {  	_ =	shalt  }
0x56: {  	_ =	shalt  }
0x57: {  	_ =	shalt  }
0x58: {  	_ =	shalt  }
0x59: {  	_ =	shalt  }
0x5a: {  	_ =	shalt  }
0x5b: {  	_ =	shalt  }
0x5c: {  	_ =	shalt  }
0x5d: {  	_ =	shalt  }
0x5e: {  	_ =	shalt  }
0x5f: {  	_ =	shalt  }
0x60: {  	_ =	shalt  }
0x61: {  	_ =	shalt  }
0x62: {  	_ =	shalt  }
0x63: {  	_ =	shalt  }
0x64: {  	_ =	shalt  }
0x65: {  	_ =	shalt  }
0x66: {  	_ =	shalt  }
0x67: {  	_ =	shalt  }
0x68: {  	_ =	shalt  }
0x69: {  	_ =	shalt  }
0x6a: {  	_ =	shalt  }
0x6b: {  	_ =	shalt  }
0x6c: {  	_ =	shalt  }
0x6d: {  	_ =	shalt  }
0x6e: {  	_ =	shalt  }
0x6f: {  	_ =	shalt  }
0x70: {  	_ =	shalt  }
0x71: {  	_ =	shalt  }
0x72: {  	_ =	shalt  }
0x73: {  	_ =	shalt  }
0x74: {  	_ =	shalt  }
0x75: {  	_ =	shalt  }
0x76: {  	_ =	shalt  }
0x77: {  	_ =	shalt  }
0x78: {  	_ =	shalt  }
0x79: {  	_ =	shalt  }
0x7a: {  	_ =	shalt  }
0x7b: {  	_ =	shalt  }
0x7c: {  	_ =	shalt  }
0x7d: {  	_ =	shalt  }
0x7e: {  	_ =	shalt  }
0x7f: {  	_ =	shalt  }
0x80: {  	_ =	shalt  }
0x81: {  	_ =	shalt  }
0x82: {  	_ =	shalt  }
0x83: {  	_ =	shalt  }
0x84: {  	_ =	shalt  }
0x85: {  	_ =	shalt  }
0x86: {  	_ =	shalt  }
0x87: {  	_ =	shalt  }
.Lfunc_end0:
.L_simem_size_0:
called_computation_lowered:
.L_overlay_start_0:
0x88: {  	s2 =	sld [smem:$0x3FD9]  }
0x89: {  	s3 =	sld [smem:$0x3FFE];
	_ =	sdelay $0x1  }
0x8a: {  	s1 =	srdreg.scid  }
0x8b: {  	s0 =	sand.u32 $0x1, s1  }
0x8c: {  	s18 =	sshll.u32 s0, $0xA;
	s2 =	sadd.s32 s3, s2  }
0x8d: {  	s2 =	sadd.s32 s2, s18  }
0x8e: {  	[smem:$0x3FC4] =	sst s2  }
0x8f: {  	_ = 	snop  }
0x90: {  	s2 =	sld [smem:$0x3FC9]  }
0x91: {  	s19 =	sld [smem:$0x3FC8]  }
0x92: {  	s4 =	sld [smem:$0x3FC7]  }
0x93: {  	s5 =	sld [smem:$0x3FC6]  }
0x94: {  	s6 =	sld [smem:$0x3FD0];
	(tm) =	ssettm $0x1  }
0x95: {  	s7 =	sld [smem:$0x3FFB];
	_ =	sdelay $0x3  }
0x96: {  	_ =	strace s7  }
0x97: {  	s7 =	sld [smem:$0x3FFC];
	_ =	sdelay $0x3  }
0x98: {  	_ =	strace s7  }
0x99: {  	s7 =	sld [smem:$0x3FFD];
	_ =	sdelay $0x3  }
0x9a: {  	_ =	strace s7  }
0x9b: {  	_ =	strace $0x8FFFFFFF  }
0x9c: {  	s20 =	sld [smem:$0x3FDB];
	_ =	sdelay $0x1  }
0x9d: {  	s8 =	simm.s32 $_scs_section_size  }
0x9e: {  	s9 =	simm.s32 $_size__tile_overlayer_lowered;
	s10 =	simm.s32 $_tile_overlayer_lowered  }
0x9f: {  	s23 =	simm.s32 $0x1BFF;
	s22 =	sshll.u32 s10, $0x1;
	s7 =	sadd.s32 s8, s20  }
0xa0: {  	s11 =	simm.s32 $0x0;
	s21 =	sshll.u32 s9, $0x1;
	s9 =	sadd.s32 s22, s7  }
0xa1: {  	[timem:s11], [sflag:s23] =	dma.local [hbm:s9], s21  }
0xa2: {  	_ =	swait.ge [sflag:s23], s21  }
0xa3: {  	s8 =	ssub.s32 $0x0, s21;
	[sflag:s23] =	ssyncset.done $0x0  }
0xa4: {  	[sflag:s23] =	ssyncadd.s32 s8;
	_ =	sdelay $0x1  }
0xa5: {  	s24 =	simm.s32 $0x1B8B  }
0xa6: {  	_ =	swait.ge [sflag:s24], $0x1  }
0xa7: {  	[sflag:s24] =	ssyncset.done $0x0  }
0xa8: {  	s25 =	simm.s32 $0x1B8E;
	[sflag:s24] =	ssyncadd.s32 $0xFFFFFFFF  }
0xa9: {  	s26 =	simm.s32 $execute0_lowered;
	[smem:$0x3FD2] =	sst s25  }
0xaa: {  	s8 =	sshll.u32 s26, $0x1;
	_ =	strace $0x80000046;
	[dreg:$0x1] =	wrdreg $0xFFFFFFFF  }
0xab: {  	s28 =	simm.s32 $_size_execute0_lowered;
	s7 =	sadd.s32 s7, s8;
	[dreg:$0x0] =	wrdreg $0x0  }
0xac: {  	s8 =	sshll.u32 s28, $0x1;
	[dreg:$0x2] =	wrdreg s7  }
0xad: {  	[dreg:$0x3] =	wrdreg s8  }
0xae: {  	[dreg:$0x4] =	wrdreg $0xC0  }
0xaf: {  	_ =	task [dreg:s11], $0x5FFFF  }
0xb0: {  	[dreg:$0x1] =	wrdreg $0xFFFFFFFF  }
0xb1: {  	[dreg:$0x0] =	wrdreg $0x60  }
0xb2: {  	[dreg:$0x2] =	wrdreg s2  }
0xb3: {  	[dreg:$0x3] =	wrdreg s19  }
0xb4: {  	[dreg:$0x4] =	wrdreg s4  }
0xb5: {  	[dreg:$0x5] =	wrdreg s5  }
0xb6: {  	[dreg:$0x6] =	wrdreg s6  }
0xb7: {  	[dreg:$0x7] =	wrdreg $0xC8000  }
0xb8: {  	[dreg:$0x8] =	wrdreg $0x9  }
0xb9: {  	_ =	task.clear_ibuf [dreg:s11], $0x9FFFF;
	_ =	strace $0x90000046  }
0xba: {  	s29 =	simm.s32 $0x9;
	_ =	strace $0x80000048  }
0xbb: {  	_ =	swait.ge [sflag:s29], $0x1  }
0xbc: {  	[sflag:s29] =	ssyncadd.s32 $0xFFFFFFFF  }
0xbd: {  	_ =	strace $0x90000048  }
0xbe: {  	_ =	sfence  }
0xbf: {  	s30 =	sld [smem:$0x0];
	_ =	sdelay $0x2  }
0xc0: {  	s31 =	sshll.u32 s1, $0xD;
	s1 =	sshrl.u32 s1, $0x2  }
0xc1: {  	s3 =	sand.u32 $0x4000, s31;
	s1 =	sadd.s32 s1, s30  }
0xc2: {  	s0 =	sor.u32 s3, s0;
	s1 =	sshll.u32 s1, $0x11  }
0xc3: {  	s0 =	sor.u32 s1, s0  }
0xc4: {  	s0 =	sadd.s32 $0x8F2B, s0  }
0xc5: {  	[sflag:s0] =	ssyncadd.remote.s32 $0x1  }
0xc6: {  	_ =	sfence.sel $0xFFFF  }
0xc7: {  	[dreg:$0x0] =	wrdreg $0xFFFFFFFF;
	(pc) =	sbr.abs _section_cstart, $3  }
0xc8: {  	[dreg:$0x1] =	wrdreg $0xFFFFFFFF  }
0xc9: {  	_ =	task.clear_ibuf [dreg:s11], $0x2FFFF;
	_ =	strace $0x9FFFFFFF  }
0xca: {  	(tm) =	ssettm $0x7FFFFFFF  }
0xcb: {  	_ =	shalt  }
tec
execute0_lowered:
.L_overlay_start_1:
0x0: {  	(tag) =	ssettag $0x1  }
0x1: {  	s5 =	rddreg [dreg:$0x0]  }
0x2: {  	s6 =	rddreg [dreg:$0x1]  }
0x3: {  	s2 =	rddreg [dreg:$0x2]  }
0x4: {  	s7 =	rddreg [dreg:$0x3]  }
0x5: {  	s8 =	rddreg [dreg:$0x4]  }
0x6: {  	s3 =	rddreg [dreg:$0x5];
	s4 =	simm.s32 $0x0  }
0x7: {  	s1 =	stileid.u32;
	s0 =	srdreg.scid;
	s17 =	simm.s32 $0x100  }
0x8: {  	s20 =	simm.s32 $0x480;
	s22 =	simm.s32 $0x180;
	[smem:$0x7FF] =	sst s4  }
0x9: {  	s9 =	sshll.u32 s1, $0x1;
	s0 =	sand.u32 $0x1, s0;
	s10 =	sshll.u32 s1, $0xD  }
0xa: {  	s24 =	sshrl.u32 s1, $0x2;
	_ =	strace $0x80000047;
	[dreg:$0x13] =	wrdreg s17  }
0xb: {  	s25 =	sshll.u32 s1, $0x6;
	s13 =	sshll.u32 s1, $0x10;
	[dreg:$0x14] =	wrdreg s20  }
0xc: {  	s9 =	sand.u32 $0x6, s9;
	s7 =	sadd.s32 s7, s10;
	[dreg:$0x15] =	wrdreg s22  }
0xd: {  	s9 =	sor.u32 s0, s9;
	[dreg:$0x7] =	wrdreg s7;
	s7 =	sor.u32 $0x1C08, s25  }
0xe: {  	s12 =	sshll.u32 s24, $0x4;
	s11 =	sshll.u32 s9, $0xE;
	[dreg:$0x8] =	wrdreg s7  }
0xf: {  	s9 =	sshll.u32 s9, $0x9;
	s7 =	sadd.s32 s13, s3;
	s21 =	rddreg [dreg:$0x7]  }
0x10: {  	s9 =	sor.u32 s12, s9;
	s16 =	sshrl.u32 s7, $0x3;
	s19 =	rddreg [dreg:$0x8]  }
0x11: {  	s10 =	sshll.u32 s24, $0x11;
	s5 =	sadd.s32 s5, s9;
	[dreg:$0x12] =	wrdreg s16  }
0x12: {  	s26 =	sor.u32 s10, s11;
	s6 =	sadd.s32 s6, s9;
	[dreg:$0x9] =	wrdreg s5  }
0x13: {  	s5 =	sadd.s32 s8, s26;
	[dreg:$0xa] =	wrdreg s6  }
0x14: {  	s18 =	rddreg [dreg:$0x12];
	s8 =	sadd.s32 $0x800, s5  }
0x15: {  	s9 =	sadd.s32 $0x1000, s5;
	[dreg:$0xb] =	wrdreg s8  }
0x16: {  	s10 =	sadd.s32 $0x1800, s5;
	[dreg:$0xc] =	wrdreg s9  }
0x17: {  	s11 =	sadd.s32 $0x2000, s5;
	[dreg:$0xd] =	wrdreg s10  }
0x18: {  	s12 =	sadd.s32 $0x2800, s5;
	[dreg:$0xe] =	wrdreg s11  }
0x19: {  	s14 =	sadd.s32 $0x3000, s5;
	[dreg:$0xf] =	wrdreg s12  }
0x1a: {  	s15 =	sadd.s32 $0x3800, s5;
	[dreg:$0x10] =	wrdreg s14  }
0x1b: {  	[dreg:$0x11] =	wrdreg s15  }
0x1c: {  	[spmem:s18], [sflag:s19] =	dma.local [hbm:s21], $0x2000  }
0x1d: {  	s7 =	simm.s32 $0x200;
	s6 =	simm.s32 $0x80;
	s23 =	rddreg [dreg:$0x9]  }
0x1e: {  	[tilespmem:s4], [sflag:$0x9] =	stream.strided.gather [hbm4b:s23+s6], $0x400, s7, s6, $0x38;
	[tilespmem:$0x1C800] =	vst v63  }
0x1f: {  	s8 =	simm.s32 $0x400;
	s9 =	simm.s32 $0x9;
	s24 =	rddreg [dreg:$0xa]  }
0x20: {  	[tilespmem:s8], [sflag:$0xA] =	stream.strided.gather [hbm4b:s24+s6], $0x400, s7, s6, $0x38;
	[tilespmem:$0x1C800] =	vst v63  }
0x21: {  	_ =	swait.ge [sflag:s9], $0x400  }
0x22: {  	[sflag:s9] =	ssyncset.done $0x0  }
0x23: {  	s10 =	simm.s32 $0x800;
	[sflag:s9] =	ssyncadd.s32 $0xFFFFFC00  }
0x24: {  	[tilespmem:s10], [sflag:$0x1] =	stream.indirect.gather [hbm4b:s2+s6], $0x80, s4, s6, $0xb8;
	[tilespmem:$0x1C800] =	vst v63  }
0x25: {  	s11 =	simm.s32 $0x4800;
	s12 =	simm.s32 $0x1  }
0x26: {  	[tilespmem:s11], [sflag:$0x2] =	stream.indirect.gather [hbm4b:s2+s6], $0x80, s6, s6, $0xb8;
	[tilespmem:$0x1C800] =	vst v63  }
0x27: {  	_ =	swait.ge [sflag:s12], $0x4000  }
0x28: {  	[sflag:s12] =	ssyncset.done $0x0  }
0x29: {  	s13 =	simm.s32 $0xA;
	[sflag:s12] =	ssyncadd.s32 $0xFFFFC000  }
0x2a: {  	_ =	swait.ge [sflag:s13], $0x400  }
0x2b: {  	[sflag:s13] =	ssyncset.done $0x0  }
0x2c: {  	s14 =	simm.s32 $0x8;
	[sflag:s13] =	ssyncadd.s32 $0xFFFFFC00  }
0x2d: {  	_ =	swait.ge [sflag:s14], $0x2000  }
0x2e: {  	[sflag:s14] =	ssyncset.done $0x0  }
0x2f: {  	[sflag:s14] =	ssyncadd.s32 $0xFFFFE000  }
0x30: {  	[bflag:$0x0] =	sbarrier.arrive $0xFFFF  }
0x31: {  	[tilespmem:s10], [sflag:$0x4] =	stream.indirect.gather.add.f32 [spmem:s3], $0x80, s8, s6, $0xb8;
	[tilespmem:$0x1C800] =	vst v63  }
0x32: {  	s16 =	simm.s32 $0x4;
	s15 =	simm.s32 $0x8800;
	s17 =	rddreg [dreg:$0x13]  }
0x33: {  	[tilespmem:s15], [sflag:$0x3] =	stream.indirect.gather [hbm4b:s2+s6], $0x80, s17, s6, $0xb8;
	[tilespmem:$0x1C800] =	vst v63  }
0x34: {  	_ =	swait.ge [sflag:s16], $0x4000  }
0x35: {  	[sflag:s16] =	ssyncset.done $0x0  }
0x36: {  	s17 =	simm.s32 $0x2;
	[sflag:s16] =	ssyncadd.s32 $0xFFFFC000  }
0x37: {  	[hbm4b:s5+s4] =	stream.linear.scatter [tilespmem:s10], [sflag:$0x7], $0x4000, $0x38;
	[tilespmem:$0x1C800] =	vst v63  }
0x38: {  	_ =	swait.ge [sflag:s17], $0x4000  }
0x39: {  	[sflag:s17] =	ssyncset.done $0x0  }
0x3a: {  	s18 =	simm.s32 $0x7;
	s19 =	rddreg [dreg:$0x14];
	[sflag:s17] =	ssyncadd.s32 $0xFFFFC000  }
0x3b: {  	[tilespmem:s11], [sflag:$0x5] =	stream.indirect.gather.add.f32 [spmem:s3], $0x80, s19, s6, $0xb8;
	[tilespmem:$0x1C800] =	vst v63  }
0x3c: {  	_ =	swait.ge [sflag:s18], $0x4000  }
0x3d: {  	[sflag:s18] =	ssyncset.done $0x0  }
0x3e: {  	s19 =	simm.s32 $0x5;
	s20 =	rddreg [dreg:$0x15];
	[sflag:s18] =	ssyncadd.s32 $0xFFFFC000  }
0x3f: {  	[tilespmem:s10], [sflag:$0x1] =	stream.indirect.gather [hbm4b:s2+s6], $0x80, s20, s6, $0xb8;
	[tilespmem:$0x1C800] =	vst v63  }
0x40: {  	_ =	swait.ge [sflag:s19], $0x4000  }
0x41: {  	[sflag:s19] =	ssyncset.done $0x0  }
0x42: {  	s20 =	simm.s32 $0x3;
	s21 =	rddreg [dreg:$0xb];
	[sflag:s19] =	ssyncadd.s32 $0xFFFFC000  }
0x43: {  	[hbm4b:s21+s4] =	stream.linear.scatter [tilespmem:s11], [sflag:$0x7], $0x4000, $0x38;
	[tilespmem:$0x1C800] =	vst v63  }
0x44: {  	_ =	swait.ge [sflag:s20], $0x4000  }
0x45: {  	[sflag:s20] =	ssyncset.done $0x0  }
0x46: {  	s25 =	simm.s32 $0x500;
	[sflag:s20] =	ssyncadd.s32 $0xFFFFC000  }
0x47: {  	[tilespmem:s15], [sflag:$0x6] =	stream.indirect.gather.add.f32 [spmem:s3], $0x80, s25, s6, $0xb8;
	[tilespmem:$0x1C800] =	vst v63  }
0x48: {  	_ =	swait.ge [sflag:s18], $0x4000  }
0x49: {  	[sflag:s18] =	ssyncset.done $0x0  }
0x4a: {  	s22 =	simm.s32 $0x6;
	[sflag:s18] =	ssyncadd.s32 $0xFFFFC000  }
0x4b: {  	[tilespmem:s11], [sflag:$0x2] =	stream.indirect.gather [hbm4b:s2+s6], $0x80, s7, s6, $0xb8;
	[tilespmem:$0x1C800] =	vst v63  }
0x4c: {  	_ =	swait.ge [sflag:s22], $0x4000  }
0x4d: {  	[sflag:s22] =	ssyncset.done $0x0  }
0x4e: {  	s23 =	rddreg [dreg:$0xc];
	[sflag:s22] =	ssyncadd.s32 $0xFFFFC000  }
0x4f: {  	[hbm4b:s23+s4] =	stream.linear.scatter [tilespmem:s15], [sflag:$0x7], $0x4000, $0x38;
	[tilespmem:$0x1C800] =	vst v63  }
0x50: {  	_ =	swait.ge [sflag:s12], $0x4000  }
0x51: {  	[sflag:s12] =	ssyncset.done $0x0  }
0x52: {  	s26 =	simm.s32 $0x580;
	[sflag:s12] =	ssyncadd.s32 $0xFFFFC000  }
0x53: {  	[tilespmem:s10], [sflag:$0x4] =	stream.indirect.gather.add.f32 [spmem:s3], $0x80, s26, s6, $0xb8;
	[tilespmem:$0x1C800] =	vst v63  }
0x54: {  	_ =	swait.ge [sflag:s18], $0x4000  }
0x55: {  	[sflag:s18] =	ssyncset.done $0x0  }
0x56: {  	s24 =	simm.s32 $0x280;
	[sflag:s18] =	ssyncadd.s32 $0xFFFFC000  }
0x57: {  	[tilespmem:s15], [sflag:$0x3] =	stream.indirect.gather [hbm4b:s2+s6], $0x80, s24, s6, $0xb8;
	[tilespmem:$0x1C800] =	vst v63  }
0x58: {  	_ =	swait.ge [sflag:s16], $0x4000  }
0x59: {  	[sflag:s16] =	ssyncset.done $0x0  }
0x5a: {  	s25 =	rddreg [dreg:$0xd];
	[sflag:s16] =	ssyncadd.s32 $0xFFFFC000  }
0x5b: {  	[hbm4b:s25+s4] =	stream.linear.scatter [tilespmem:s10], [sflag:$0x7], $0x4000, $0x38;
	[tilespmem:$0x1C800] =	vst v63  }
0x5c: {  	_ =	swait.ge [sflag:s17], $0x4000  }
0x5d: {  	[sflag:s17] =	ssyncset.done $0x0  }
0x5e: {  	s25 =	simm.s32 $0x600;
	[sflag:s17] =	ssyncadd.s32 $0xFFFFC000  }
0x5f: {  	[tilespmem:s11], [sflag:$0x5] =	stream.indirect.gather.add.f32 [spmem:s3], $0x80, s25, s6, $0xb8;
	[tilespmem:$0x1C800] =	vst v63  }
0x60: {  	_ =	swait.ge [sflag:s18], $0x4000  }
0x61: {  	[sflag:s18] =	ssyncset.done $0x0  }
0x62: {  	s26 =	simm.s32 $0x300;
	[sflag:s18] =	ssyncadd.s32 $0xFFFFC000  }
0x63: {  	[tilespmem:s10], [sflag:$0x1] =	stream.indirect.gather [hbm4b:s2+s6], $0x80, s26, s6, $0xb8;
	[tilespmem:$0x1C800] =	vst v63  }
0x64: {  	_ =	swait.ge [sflag:s19], $0x4000  }
0x65: {  	[sflag:s19] =	ssyncset.done $0x0  }
0x66: {  	s28 =	rddreg [dreg:$0xe];
	[sflag:s19] =	ssyncadd.s32 $0xFFFFC000  }
0x67: {  	[hbm4b:s28+s4] =	stream.linear.scatter [tilespmem:s11], [sflag:$0x7], $0x4000, $0x38;
	[tilespmem:$0x1C800] =	vst v63  }
0x68: {  	_ =	swait.ge [sflag:s20], $0x4000  }
0x69: {  	[sflag:s20] =	ssyncset.done $0x0  }
0x6a: {  	s28 =	simm.s32 $0x680;
	[sflag:s20] =	ssyncadd.s32 $0xFFFFC000  }
0x6b: {  	[tilespmem:s15], [sflag:$0x6] =	stream.indirect.gather.add.f32 [spmem:s3], $0x80, s28, s6, $0xb8;
	[tilespmem:$0x1C800] =	vst v63  }
0x6c: {  	_ =	swait.ge [sflag:s18], $0x4000  }
0x6d: {  	[sflag:s18] =	ssyncset.done $0x0  }
0x6e: {  	s29 =	simm.s32 $0x380;
	[sflag:s18] =	ssyncadd.s32 $0xFFFFC000  }
0x6f: {  	[tilespmem:s11], [sflag:$0x2] =	stream.indirect.gather [hbm4b:s2+s6], $0x80, s29, s6, $0xb8;
	[tilespmem:$0x1C800] =	vst v63  }
0x70: {  	_ =	swait.ge [sflag:s22], $0x4000  }
0x71: {  	[sflag:s22] =	ssyncset.done $0x0  }
0x72: {  	s30 =	rddreg [dreg:$0xf];
	[sflag:s22] =	ssyncadd.s32 $0xFFFFC000  }
0x73: {  	[hbm4b:s30+s4] =	stream.linear.scatter [tilespmem:s15], [sflag:$0x7], $0x4000, $0x38;
	[tilespmem:$0x1C800] =	vst v63  }
0x74: {  	_ =	swait.ge [sflag:s12], $0x4000  }
0x75: {  	[sflag:s12] =	ssyncset.done $0x0  }
0x76: {  	s30 =	simm.s32 $0x700;
	[sflag:s12] =	ssyncadd.s32 $0xFFFFC000  }
0x77: {  	[tilespmem:s10], [sflag:$0x4] =	stream.indirect.gather.add.f32 [spmem:s3], $0x80, s30, s6, $0xb8;
	[tilespmem:$0x1C800] =	vst v63  }
0x78: {  	_ =	swait.ge [sflag:s16], $0x4000  }
0x79: {  	[sflag:s16] =	ssyncset.done $0x0  }
0x7a: {  	s31 =	rddreg [dreg:$0x10];
	[sflag:s16] =	ssyncadd.s32 $0xFFFFC000  }
0x7b: {  	[hbm4b:s31+s4] =	stream.linear.scatter [tilespmem:s10], [sflag:$0x7], $0x4000, $0x38;
	[tilespmem:$0x1C800] =	vst v63  }
0x7c: {  	_ =	swait.ge [sflag:s17], $0x4000  }
0x7d: {  	[sflag:s17] =	ssyncset.done $0x0  }
0x7e: {  	s31 =	simm.s32 $0x780;
	[sflag:s17] =	ssyncadd.s32 $0xFFFFC000  }
0x7f: {  	[tilespmem:s11], [sflag:$0x5] =	stream.indirect.gather.add.f32 [spmem:s3], $0x80, s31, s6, $0xb8;
	[tilespmem:$0x1C800] =	vst v63  }
0x80: {  	s0 =	ssub.s32 $0x2, s0;
	_ =	swait.ge [sflag:s19], $0x4000  }
0x81: {  	s23 =	sshrl.u32 s0, $0x1;
	[sflag:s19] =	ssyncset.done $0x0  }
0x82: {  	s0 =	ssub.s32 s0, s23;
	s21 =	rddreg [dreg:$0x11];
	[sflag:s19] =	ssyncadd.s32 $0xFFFFC000  }
0x83: {  	[hbm4b:s21+s4] =	stream.linear.scatter [tilespmem:s11], [sflag:$0x7], $0x4000, $0x38;
	[tilespmem:$0x1C800] =	vst v63  }
0x84: {  	s0 =	smax.u32 s0, $0x1;
	_ =	swait.ge [sflag:s18], $0x4000  }
0x85: {  	p0 =	sne.s32 s0, $0x1;
	[sflag:s18] =	ssyncset.done $0x0  }
.Ltmp0:
0x86: {  	[sflag:s18] =	ssyncadd.s32 $0xFFFFC000;
	(pc) =	sbr.rel @!p0 .LBB2_2-.Ltmp0, $4  }
0x87: {  	_ =	swait.ge [sflag:s18], $0x4000  }
0x88: {  	[sflag:s18] =	ssyncset.done $0x0  }
0x89: {  	[sflag:s18] =	ssyncadd.s32 $0xFFFFC000  }
0x8a: {  	s0 =	sadd.s32 $0xFFFFFFFF, s0;
	_ =	swait.ge [sflag:s18], $0x4000  }
.LBB2_1:
0x8b: {  	s1 =	rddreg [dreg:$0x12]  }
0x8c: {  	[sflag:s18] =	ssyncset.done $0x0;
	s21 =	rddreg [dreg:$0x8]  }
0x8d: {  	s23 =	rddreg [dreg:$0x7];
	[sflag:s18] =	ssyncadd.s32 $0xFFFFC000  }
0x8e: {  	[spmem:s1], [sflag:s21] =	dma.local [hbm:s23], $0x2000  }
0x8f: {  	s1 =	rddreg [dreg:$0x9]  }
0x90: {  	[tilespmem:s4], [sflag:$0x9] =	stream.strided.gather [hbm4b:s1+s6], $0x400, s7, s6, $0x38;
	[tilespmem:$0x1C800] =	vst v63  }
0x91: {  	s21 =	rddreg [dreg:$0xa]  }
0x92: {  	[tilespmem:s8], [sflag:$0xA] =	stream.strided.gather [hbm4b:s21+s6], $0x400, s7, s6, $0x38;
	[tilespmem:$0x1C800] =	vst v63  }
0x93: {  	_ =	swait.ge [sflag:s9], $0x400  }
0x94: {  	[sflag:s9] =	ssyncset.done $0x0  }
0x95: {  	[sflag:s9] =	ssyncadd.s32 $0xFFFFFC00  }
0x96: {  	[tilespmem:s10], [sflag:$0x1] =	stream.indirect.gather [hbm4b:s2+s6], $0x80, s4, s6, $0xb8;
	[tilespmem:$0x1C800] =	vst v63  }
0x97: {  	_ = 	snop  }
0x98: {  	[tilespmem:s11], [sflag:$0x2] =	stream.indirect.gather [hbm4b:s2+s6], $0x80, s6, s6, $0xb8;
	[tilespmem:$0x1C800] =	vst v63  }
0x99: {  	_ =	swait.ge [sflag:s12], $0x4000  }
0x9a: {  	[sflag:s12] =	ssyncset.done $0x0  }
0x9b: {  	[sflag:s12] =	ssyncadd.s32 $0xFFFFC000  }
0x9c: {  	_ =	swait.ge [sflag:s13], $0x400  }
0x9d: {  	[sflag:s13] =	ssyncset.done $0x0  }
0x9e: {  	[sflag:s13] =	ssyncadd.s32 $0xFFFFFC00  }
0x9f: {  	_ =	swait.ge [sflag:s14], $0x2000  }
0xa0: {  	[sflag:s14] =	ssyncset.done $0x0  }
0xa1: {  	[sflag:s14] =	ssyncadd.s32 $0xFFFFE000  }
0xa2: {  	[bflag:$0x0] =	sbarrier.arrive $0xFFFF  }
0xa3: {  	[tilespmem:s10], [sflag:$0x4] =	stream.indirect.gather.add.f32 [spmem:s3], $0x80, s8, s6, $0xb8;
	[tilespmem:$0x1C800] =	vst v63  }
0xa4: {  	s21 =	rddreg [dreg:$0x13]  }
0xa5: {  	[tilespmem:s15], [sflag:$0x3] =	stream.indirect.gather [hbm4b:s2+s6], $0x80, s21, s6, $0xb8;
	[tilespmem:$0x1C800] =	vst v63  }
0xa6: {  	_ =	swait.ge [sflag:s16], $0x4000  }
0xa7: {  	[sflag:s16] =	ssyncset.done $0x0  }
0xa8: {  	[sflag:s16] =	ssyncadd.s32 $0xFFFFC000  }
0xa9: {  	[hbm4b:s5+s4] =	stream.linear.scatter [tilespmem:s10], [sflag:$0x7], $0x4000, $0x38;
	[tilespmem:$0x1C800] =	vst v63  }
0xaa: {  	_ =	swait.ge [sflag:s17], $0x4000  }
0xab: {  	[sflag:s17] =	ssyncset.done $0x0  }
0xac: {  	s23 =	rddreg [dreg:$0x14];
	[sflag:s17] =	ssyncadd.s32 $0xFFFFC000  }
0xad: {  	[tilespmem:s11], [sflag:$0x5] =	stream.indirect.gather.add.f32 [spmem:s3], $0x80, s23, s6, $0xb8;
	[tilespmem:$0x1C800] =	vst v63  }
0xae: {  	_ =	swait.ge [sflag:s18], $0x4000  }
0xaf: {  	[sflag:s18] =	ssyncset.done $0x0  }
0xb0: {  	s21 =	rddreg [dreg:$0x15];
	[sflag:s18] =	ssyncadd.s32 $0xFFFFC000  }
0xb1: {  	[tilespmem:s10], [sflag:$0x1] =	stream.indirect.gather [hbm4b:s2+s6], $0x80, s21, s6, $0xb8;
	[tilespmem:$0x1C800] =	vst v63  }
0xb2: {  	_ =	swait.ge [sflag:s19], $0x4000  }
0xb3: {  	[sflag:s19] =	ssyncset.done $0x0  }
0xb4: {  	s23 =	rddreg [dreg:$0xb];
	[sflag:s19] =	ssyncadd.s32 $0xFFFFC000  }
0xb5: {  	[hbm4b:s23+s4] =	stream.linear.scatter [tilespmem:s11], [sflag:$0x7], $0x4000, $0x38;
	[tilespmem:$0x1C800] =	vst v63  }
0xb6: {  	_ =	swait.ge [sflag:s20], $0x4000  }
0xb7: {  	[sflag:s20] =	ssyncset.done $0x0  }
0xb8: {  	s21 =	simm.s32 $0x500;
	[sflag:s20] =	ssyncadd.s32 $0xFFFFC000  }
0xb9: {  	[tilespmem:s15], [sflag:$0x6] =	stream.indirect.gather.add.f32 [spmem:s3], $0x80, s21, s6, $0xb8;
	[tilespmem:$0x1C800] =	vst v63  }
0xba: {  	_ =	swait.ge [sflag:s18], $0x4000  }
0xbb: {  	[sflag:s18] =	ssyncset.done $0x0  }
0xbc: {  	[sflag:s18] =	ssyncadd.s32 $0xFFFFC000  }
0xbd: {  	[tilespmem:s11], [sflag:$0x2] =	stream.indirect.gather [hbm4b:s2+s6], $0x80, s7, s6, $0xb8;
	[tilespmem:$0x1C800] =	vst v63  }
0xbe: {  	_ =	swait.ge [sflag:s22], $0x4000  }
0xbf: {  	[sflag:s22] =	ssyncset.done $0x0  }
0xc0: {  	s23 =	rddreg [dreg:$0xc];
	[sflag:s22] =	ssyncadd.s32 $0xFFFFC000  }
0xc1: {  	[hbm4b:s23+s4] =	stream.linear.scatter [tilespmem:s15], [sflag:$0x7], $0x4000, $0x38;
	[tilespmem:$0x1C800] =	vst v63  }
0xc2: {  	_ =	swait.ge [sflag:s12], $0x4000  }
0xc3: {  	[sflag:s12] =	ssyncset.done $0x0  }
0xc4: {  	s21 =	simm.s32 $0x580;
	[sflag:s12] =	ssyncadd.s32 $0xFFFFC000  }
0xc5: {  	[tilespmem:s10], [sflag:$0x4] =	stream.indirect.gather.add.f32 [spmem:s3], $0x80, s21, s6, $0xb8;
	[tilespmem:$0x1C800] =	vst v63  }
0xc6: {  	_ =	swait.ge [sflag:s18], $0x4000  }
0xc7: {  	[sflag:s18] =	ssyncset.done $0x0  }
0xc8: {  	[sflag:s18] =	ssyncadd.s32 $0xFFFFC000  }
0xc9: {  	[tilespmem:s15], [sflag:$0x3] =	stream.indirect.gather [hbm4b:s2+s6], $0x80, s24, s6, $0xb8;
	[tilespmem:$0x1C800] =	vst v63  }
0xca: {  	_ =	swait.ge [sflag:s16], $0x4000  }
0xcb: {  	[sflag:s16] =	ssyncset.done $0x0  }
0xcc: {  	s23 =	rddreg [dreg:$0xd];
	[sflag:s16] =	ssyncadd.s32 $0xFFFFC000  }
0xcd: {  	[hbm4b:s23+s4] =	stream.linear.scatter [tilespmem:s10], [sflag:$0x7], $0x4000, $0x38;
	[tilespmem:$0x1C800] =	vst v63  }
0xce: {  	_ =	swait.ge [sflag:s17], $0x4000  }
0xcf: {  	[sflag:s17] =	ssyncset.done $0x0  }
0xd0: {  	[sflag:s17] =	ssyncadd.s32 $0xFFFFC000  }
0xd1: {  	[tilespmem:s11], [sflag:$0x5] =	stream.indirect.gather.add.f32 [spmem:s3], $0x80, s25, s6, $0xb8;
	[tilespmem:$0x1C800] =	vst v63  }
0xd2: {  	_ =	swait.ge [sflag:s18], $0x4000  }
0xd3: {  	[sflag:s18] =	ssyncset.done $0x0  }
0xd4: {  	[sflag:s18] =	ssyncadd.s32 $0xFFFFC000  }
0xd5: {  	[tilespmem:s10], [sflag:$0x1] =	stream.indirect.gather [hbm4b:s2+s6], $0x80, s26, s6, $0xb8;
	[tilespmem:$0x1C800] =	vst v63  }
0xd6: {  	_ =	swait.ge [sflag:s19], $0x4000  }
0xd7: {  	[sflag:s19] =	ssyncset.done $0x0  }
0xd8: {  	s21 =	rddreg [dreg:$0xe];
	[sflag:s19] =	ssyncadd.s32 $0xFFFFC000  }
0xd9: {  	[hbm4b:s21+s4] =	stream.linear.scatter [tilespmem:s11], [sflag:$0x7], $0x4000, $0x38;
	[tilespmem:$0x1C800] =	vst v63  }
0xda: {  	_ =	swait.ge [sflag:s20], $0x4000  }
0xdb: {  	[sflag:s20] =	ssyncset.done $0x0  }
0xdc: {  	[sflag:s20] =	ssyncadd.s32 $0xFFFFC000  }
0xdd: {  	[tilespmem:s15], [sflag:$0x6] =	stream.indirect.gather.add.f32 [spmem:s3], $0x80, s28, s6, $0xb8;
	[tilespmem:$0x1C800] =	vst v63  }
0xde: {  	_ =	swait.ge [sflag:s18], $0x4000  }
0xdf: {  	[sflag:s18] =	ssyncset.done $0x0  }
0xe0: {  	[sflag:s18] =	ssyncadd.s32 $0xFFFFC000  }
0xe1: {  	[tilespmem:s11], [sflag:$0x2] =	stream.indirect.gather [hbm4b:s2+s6], $0x80, s29, s6, $0xb8;
	[tilespmem:$0x1C800] =	vst v63  }
0xe2: {  	_ =	swait.ge [sflag:s22], $0x4000  }
0xe3: {  	[sflag:s22] =	ssyncset.done $0x0  }
0xe4: {  	s23 =	rddreg [dreg:$0xf];
	[sflag:s22] =	ssyncadd.s32 $0xFFFFC000  }
0xe5: {  	[hbm4b:s23+s4] =	stream.linear.scatter [tilespmem:s15], [sflag:$0x7], $0x4000, $0x38;
	[tilespmem:$0x1C800] =	vst v63  }
0xe6: {  	_ =	swait.ge [sflag:s12], $0x4000  }
0xe7: {  	[sflag:s12] =	ssyncset.done $0x0  }
0xe8: {  	[sflag:s12] =	ssyncadd.s32 $0xFFFFC000  }
0xe9: {  	[tilespmem:s10], [sflag:$0x4] =	stream.indirect.gather.add.f32 [spmem:s3], $0x80, s30, s6, $0xb8;
	[tilespmem:$0x1C800] =	vst v63  }
0xea: {  	_ =	swait.ge [sflag:s16], $0x4000  }
0xeb: {  	[sflag:s16] =	ssyncset.done $0x0  }
0xec: {  	s21 =	rddreg [dreg:$0x10];
	[sflag:s16] =	ssyncadd.s32 $0xFFFFC000  }
0xed: {  	[hbm4b:s21+s4] =	stream.linear.scatter [tilespmem:s10], [sflag:$0x7], $0x4000, $0x38;
	[tilespmem:$0x1C800] =	vst v63  }
0xee: {  	_ =	swait.ge [sflag:s17], $0x4000  }
0xef: {  	[sflag:s17] =	ssyncset.done $0x0  }
0xf0: {  	[sflag:s17] =	ssyncadd.s32 $0xFFFFC000  }
0xf1: {  	[tilespmem:s11], [sflag:$0x5] =	stream.indirect.gather.add.f32 [spmem:s3], $0x80, s31, s6, $0xb8;
	[tilespmem:$0x1C800] =	vst v63  }
0xf2: {  	_ =	swait.ge [sflag:s19], $0x4000  }
0xf3: {  	[sflag:s19] =	ssyncset.done $0x0  }
0xf4: {  	s23 =	rddreg [dreg:$0x11];
	[sflag:s19] =	ssyncadd.s32 $0xFFFFC000  }
0xf5: {  	[hbm4b:s23+s4] =	stream.linear.scatter [tilespmem:s11], [sflag:$0x7], $0x4000, $0x38;
	[tilespmem:$0x1C800] =	vst v63  }
0xf6: {  	_ =	swait.ge [sflag:s18], $0x4000  }
0xf7: {  	p0 =	sne.s32 s0, $0x1;
	[sflag:s18] =	ssyncset.done $0x0  }
.Ltmp1:
0xf8: {  	[sflag:s18] =	ssyncadd.s32 $0xFFFFC000;
	(pc) =	sbr.rel @p0 .LBB2_1-.Ltmp1, $4  }
0xf9: {  	_ =	swait.ge [sflag:s18], $0x4000  }
0xfa: {  	[sflag:s18] =	ssyncset.done $0x0  }
0xfb: {  	[sflag:s18] =	ssyncadd.s32 $0xFFFFC000  }
0xfc: {  	s0 =	sadd.s32 $0xFFFFFFFF, s0;
	_ =	swait.ge [sflag:s18], $0x4000  }
.LBB2_2:
0xfd: {  	[sflag:s18] =	ssyncset.done $0x0  }
0xfe: {  	[sflag:s18] =	ssyncadd.s32 $0xFFFFC000  }
0xff: {  	_ =	sfence.sel $0x180000  }
0x100: {  	[bflag:$0x0] =	sbarrier.arrive $0xFFFF  }
0x101: {  	_ =	strace $0x90000047  }
0x102: {  	s0 =	stileid.u32;
	[bflag:$0x2] =	sbarrier.arrive $0xFFFF  }
0x103: {  	p0 =	sne.s32 s0, $0x0;
	s0 =	rddreg [dreg:$0x6]  }
0x104: {  	s0 =	sadd.s32 @!p0 $0x100000, s0  }
0x105: {  	[sflag:s0] =	ssyncadd.tile.s32 @!p0 $0x1;
	_ =	shalt  }
.Lfunc_end2:
_tile_overlayer_lowered:
.L_overlay_start_2:
0x106: {  	(tag) =	ssettag $0x2  }
0x107: {  	s0 =	rddreg [dreg:$0x0];
	s2 =	stileid.u32  }
0x108: {  	s1 =	rddreg [dreg:$0x1];
	p0 =	sne.s32 s2, $0x0  }
0x109: {  	s3 =	rddreg [dreg:$0x2];
	[bflag:$0x3] =	sbarrier.arrive $0xFFFF;
	s2 =	simm.s32 @!p0 $0x1C0B  }
0x10a: {  	[timem:s3], [sflag:s2] =	dma.local @!p0 [hbm:s0], s1  }
0x10b: {  	s0 =	simm.s32 @!p0 $0xB  }
0x10c: {  	_ =	swait.ge @!p0 [sflag:s0], s1  }
0x10d: {  	s1 =	ssub.s32 @!p0 $0x0, s1;
	[sflag:s0] =	ssyncset.done @!p0 $0x0  }
0x10e: {  	[sflag:s0] =	ssyncadd.s32 @!p0 s1  }
0x10f: {  	[bflag:$0x3] =	sbarrier.arrive $0xFFFF  }
0x110: {  	_ =	shalt  }

</sc_bundles>
